<compile_context>
chip_gen: v7x
topology: tpu7x:2x2x1
jax: 0.10.2.dev20260603
libtpu: 0.0.44.dev20260713+nightly
codegen_flags: <defaults>
</compile_context>

<pallas_src>
import functools

import jax
import jax.numpy as jnp
import numpy as np
from jax import lax
from jax.experimental import pallas as pl
from jax.experimental.pallas import tpu as pltpu
from jax.experimental.pallas import tpu_sc as plsc

VOCAB_N = 100000
D_N = 1024
B_N = 128
HIST_N = 200
NEG_F = -1.0e9

TILE_N = 2048
N_TILES = 49
VP_N = TILE_N * N_TILES

SC_NC = 2
SC_NS = 16
SC_NW = SC_NC * SC_NS
P_TOT = B_N * HIST_N
P_PER_W = P_TOT // SC_NW
P_CH = 10
P_CW = P_PER_W // P_CH

N_BISECT = 18
N_PHASES = 2 + N_BISECT + 1

_I32 = jnp.int32


def _f32_key_const(x):
    b = int(np.array(x, np.float32).view(np.int32))
    return b ^ (0x7FFFFFFF & (b >> 31)) if b < 0 else b


LO_KEY_INIT = _f32_key_const(-2.0e9)


def _key(v):
    b = lax.bitcast_convert_type(v, _I32)
    return b ^ (jnp.right_shift(b, 31) & jnp.int32(0x7FFFFFFF))


def _unkey(k):
    b = k ^ (jnp.right_shift(k, 31) & jnp.int32(0x7FFFFFFF))
    return lax.bitcast_convert_type(b, jnp.float32)


def _mid(a, b):
    return (a >> 1) + (b >> 1) + (a & b & 1)



def _matmul_body(h_ref, e_ref, b_ref, it_ref, o_ref):
    i = pl.program_id(0)
    acc = lax.dot_general(
        h_ref[...], e_ref[...], (((1,), (1,)), ((), ())),
        preferred_element_type=jnp.float32,
    )
    x = (acc + b_ref[...]) * it_ref[...]
    col = lax.broadcasted_iota(_I32, (B_N, TILE_N), 1) + i * TILE_N
    o_ref[...] = jnp.where(col < VOCAB_N, x, NEG_F)


def _logits_pallas(hidden_states, embedding, bias_pad, inv_temp):
    return pl.pallas_call(
        _matmul_body,
        grid=(N_TILES,),
        in_specs=[
            pl.BlockSpec((B_N, D_N), lambda i: (0, 0)),
            pl.BlockSpec((TILE_N, D_N), lambda i: (i, 0)),
            pl.BlockSpec((1, TILE_N), lambda i: (0, i)),
            pl.BlockSpec((B_N, 1), lambda i: (0, 0)),
        ],
        out_specs=pl.BlockSpec((B_N, TILE_N), lambda i: (0, i)),
        out_shape=jax.ShapeDtypeStruct((B_N, VP_N), jnp.float32),
    )(hidden_states, embedding, bias_pad, inv_temp)



def _penalty_body(lg_ref, idx_hbm, mp_hbm, mn_hbm, sub_hbm,
                  idx_v, val_v, mp_v, mn_v, sub_v, sem):
    wid = lax.axis_index("s") * SC_NC + lax.axis_index("c")
    pltpu.sync_copy(idx_hbm.at[wid], idx_v)
    pltpu.sync_copy(mp_hbm.at[wid], mp_v)
    pltpu.sync_copy(mn_hbm.at[wid], mn_v)
    pltpu.sync_copy(sub_hbm.at[wid], sub_v)
    for j in range(P_CH):
        pltpu.async_copy(lg_ref.at[idx_v.at[j]], val_v.at[j], sem).wait()

    def chunk(j, _):
        def vec(k, _):
            sl = pl.ds(k * 16, 16)
            x = val_v[j, sl]
            x = jnp.where(x > 0.0, x * mp_v[j, sl], x * mn_v[j, sl])
            val_v[j, sl] = x - sub_v[j, sl]
            return 0
        return lax.fori_loop(0, P_CW // 16, vec, 0)

    lax.fori_loop(0, P_CH, chunk, 0)
    for j in range(P_CH):
        pltpu.async_copy(val_v.at[j], lg_ref.at[idx_v.at[j]], sem).wait()


def _apply_penalties(logits_flat_ref, idx, mp, mn, sub):
    mesh = plsc.VectorSubcoreMesh(core_axis_name="c", subcore_axis_name="s")
    k = pl.kernel(
        _penalty_body,
        out_type=(),
        mesh=mesh,
        scratch_types=[
            pltpu.VMEM((P_CH, P_CW), _I32),
            pltpu.VMEM((P_CH, P_CW), jnp.float32),
            pltpu.VMEM((P_CH, P_CW), jnp.float32),
            pltpu.VMEM((P_CH, P_CW), jnp.float32),
            pltpu.VMEM((P_CH, P_CW), jnp.float32),
            pltpu.SemaphoreType.DMA,
        ],
    )
    k(logits_flat_ref, idx, mp, mn, sub)



def _stats_body(x_ref, tk_ref, tp_ref, mn_ref,
                m_ref, am_ref, tau_ref, mpf_ref, ks_ref,
                lo, hi, k1, k2, k3, t1, t2, t3, c1, c2, c3, s1, s2, s3, z):
    p = pl.program_id(0)
    i = pl.program_id(1)
    x = x_ref[...]

    @pl.when(p == 0)
    def _max_phase():
        tmax = jnp.max(x, axis=1, keepdims=True)
        cols = lax.broadcasted_iota(_I32, (B_N, TILE_N), 1) + i * TILE_N
        big = jnp.int32(2 ** 30)
        targ = jnp.min(jnp.where(x == tmax, cols, big), axis=1, keepdims=True)

        @pl.when(i == 0)
        def _():
            m_ref[...] = tmax
            am_ref[...] = targ

        @pl.when(i > 0)
        def _():
            upd = tmax > m_ref[...]
            am_ref[...] = jnp.where(upd, targ, am_ref[...])
            m_ref[...] = jnp.where(upd, tmax, m_ref[...])

    @pl.when(p == 1)
    def _z_phase():
        e = jnp.exp(x - m_ref[...])
        zt = jnp.sum(e, axis=1, keepdims=True)

        @pl.when(i == 0)
        def _():
            z[...] = zt

        @pl.when(i > 0)
        def _():
            z[...] = z[...] + zt

    @pl.when((p >= 2) & (i == 0))
    def _bisect_update():
        @pl.when(p == 2)
        def _():
            lo[...] = jnp.full((B_N, 1), LO_KEY_INIT, _I32)
            hi[...] = _key(m_ref[...])

        @pl.when(p > 2)
        def _():
            topk = tk_ref[...]
            pz = tp_ref[...] * z[...]
            q1 = (c1[...] + 1.0 <= topk) & (s1[...] < pz)
            q2 = (c2[...] + 1.0 <= topk) & (s2[...] < pz)
            q3 = (c3[...] + 1.0 <= topk) & (s3[...] < pz)
            lo[...] = jnp.where(
                ~q3, k3[...], jnp.where(~q2, k2[...],
                                        jnp.where(~q1, k1[...], lo[...])))
            hi[...] = jnp.where(
                q1, k1[...], jnp.where(q2, k2[...],
                                       jnp.where(q3, k3[...], hi[...])))

        @pl.when(p < N_PHASES - 1)
        def _():
            nk2 = _mid(lo[...], hi[...])
            nk1 = _mid(lo[...], nk2)
            nk3 = _mid(nk2, hi[...])
            k1[...], k2[...], k3[...] = nk1, nk2, nk3
            t1[...], t2[...], t3[...] = _unkey(nk1), _unkey(nk2), _unkey(nk3)
            zf = jnp.zeros((B_N, 1), jnp.float32)
            c1[...], c2[...], c3[...] = zf, zf, zf
            s1[...], s2[...], s3[...] = zf, zf, zf

        @pl.when(p == N_PHASES - 1)
        def _():
            tau_ref[...] = _unkey(lo[...])
            mpf_ref[...] = m_ref[...] + jnp.log(mn_ref[...])

    @pl.when((p >= 2) & (p < N_PHASES - 1))
    def _bisect_accum():
        e = jnp.exp(x - m_ref[...])
        zero = jnp.zeros((), jnp.float32)
        g1 = x > t1[...]
        g2 = x > t2[...]
        g3 = x > t3[...]
        c1[...] += jnp.sum(jnp.where(g1, 1.0, zero), axis=1, keepdims=True)
        c2[...] += jnp.sum(jnp.where(g2, 1.0, zero), axis=1, keepdims=True)
        c3[...] += jnp.sum(jnp.where(g3, 1.0, zero), axis=1, keepdims=True)
        s1[...] += jnp.sum(jnp.where(g1, e, zero), axis=1, keepdims=True)
        s2[...] += jnp.sum(jnp.where(g2, e, zero), axis=1, keepdims=True)
        s3[...] += jnp.sum(jnp.where(g3, e, zero), axis=1, keepdims=True)

    @pl.when(p == N_PHASES - 1)
    def _final_phase():
        e = jnp.exp(x - m_ref[...])
        keep = (x > tau_ref[...]) & (x >= mpf_ref[...])
        kt = jnp.sum(jnp.where(keep, e, 0.0), axis=1, keepdims=True)

        @pl.when(i == 0)
        def _():
            ks_ref[...] = kt

        @pl.when(i > 0)
        def _():
            ks_ref[...] = ks_ref[...] + kt


def _stats_pallas(logits, topk_f, topp, minp):
    small = pl.BlockSpec((B_N, 1), lambda p, i: (0, 0))
    f32 = jnp.float32
    return pl.pallas_call(
        _stats_body,
        grid=(N_PHASES, N_TILES),
        in_specs=[
            pl.BlockSpec((B_N, TILE_N), lambda p, i: (0, i)),
            small, small, small,
        ],
        out_specs=[small, small, small, small, small],
        out_shape=[
            jax.ShapeDtypeStruct((B_N, 1), f32),
            jax.ShapeDtypeStruct((B_N, 1), _I32),
            jax.ShapeDtypeStruct((B_N, 1), f32),
            jax.ShapeDtypeStruct((B_N, 1), f32),
            jax.ShapeDtypeStruct((B_N, 1), f32),
        ],
        scratch_shapes=[pltpu.VMEM((B_N, 1), _I32)] * 5
        + [pltpu.VMEM((B_N, 1), f32)] * 10,
    )(logits, topk_f, topp, minp)



def _write_body(x_ref, tau_ref, mpf_ref, lse_ref, o_ref):
    x = x_ref[...]
    keep = (x > tau_ref[...]) & (x >= mpf_ref[...])
    lse = lse_ref[...]
    o_ref[...] = jnp.where(keep, x - lse, NEG_F - lse)


def _write_pallas(logits, tau, mpf, lse):
    small = pl.BlockSpec((B_N, 1), lambda i: (0, 0))
    return pl.pallas_call(
        _write_body,
        grid=(N_TILES,),
        in_specs=[
            pl.BlockSpec((B_N, TILE_N), lambda i: (0, i)),
            small, small, small,
        ],
        out_specs=pl.BlockSpec((B_N, TILE_N), lambda i: (0, i)),
        out_shape=jax.ShapeDtypeStruct((B_N, VOCAB_N), jnp.float32),
    )(logits, tau, mpf, lse)



@jax.jit
def kernel(embedding, hidden_states, embedding_bias, output_token_ids,
           presence_penalties, frequency_penalties, repetition_penalties,
           temperatures, top_ps, top_ks, min_ps):
    f32 = jnp.float32
    inv_t = (1.0 / temperatures)[:, None]
    bias_pad = jnp.pad(embedding_bias, (0, VP_N - VOCAB_N)).reshape(1, VP_N)

    logits = _logits_pallas(hidden_states, embedding, bias_pad, inv_t)

    ids = output_token_ids
    eq = ids[:, :, None] == ids[:, None, :]
    cnt = jnp.sum(eq, axis=2).astype(f32)
    hh = jnp.arange(HIST_N, dtype=_I32)
    first = ~jnp.any(eq & (hh[None, None, :] < hh[None, :, None]), axis=2)
    rowbase = (jnp.arange(B_N, dtype=_I32) * VP_N)[:, None]
    flat = rowbase + ids
    pad_tgt = rowbase + VOCAB_N + hh[None, :]
    tgt = jnp.where(first, flat, pad_tgt)
    rp = repetition_penalties[:, None]
    mp = jnp.broadcast_to(1.0 / rp, (B_N, HIST_N))
    mn = jnp.broadcast_to(rp, (B_N, HIST_N))
    sub = (frequency_penalties[:, None] * cnt
           + presence_penalties[:, None]) * inv_t

    shp = (SC_NW, P_CH, P_CW)
    lg_ref = jax.new_ref(logits.reshape(B_N * VP_N))
    _apply_penalties(
        lg_ref,
        tgt.reshape(shp),
        mp.reshape(shp).astype(f32),
        mn.reshape(shp).astype(f32),
        sub.reshape(shp).astype(f32),
    )
    logits = lg_ref[...].reshape(B_N, VP_N)

    m, am, tau, mpf, ksum = _stats_pallas(
        logits,
        top_ks.astype(f32)[:, None],
        top_ps[:, None],
        min_ps[:, None],
    )
    lse = m + jnp.log(ksum)
    logprobs = _write_pallas(logits, tau, mpf, lse)

    next_tokens = am[:, 0]
    sample_logprobs = (m - lse)[:, 0]
    return next_tokens, logprobs, sample_logprobs

# --- scband reference (transcript-rebuilt; emitter-appended) ---
"""Pipeline reference for scband-sampler-59150289600746 (READ-ONLY COPY).

The authoritative reference and input builder live on the scoring server;
editing this copy changes nothing except your own understanding.
"""

import jax, jax.numpy as jnp
import numpy as np

VOCAB = 100000
D = 1024
B = 128
HIST = 200
NEG = -1.0e9


def setup_inputs(seed: int = 0) -> dict:
    key = jax.random.key(seed)
    ks = jax.random.split(key, 10)
    embedding = jax.random.normal(ks[0], (VOCAB, D), dtype=jnp.float32) * 0.02
    hidden_states = jax.random.normal(ks[1], (B, D), dtype=jnp.float32)
    embedding_bias = jnp.zeros((VOCAB,), dtype=jnp.float32)
    output_token_ids = jax.random.randint(ks[2], (B, HIST), 0, VOCAB, dtype=jnp.int32)
    presence_penalties = jax.random.uniform(ks[3], (B,), minval=0.0, maxval=1.0, dtype=jnp.float32)
    frequency_penalties = jax.random.uniform(ks[4], (B,), minval=0.0, maxval=1.0, dtype=jnp.float32)
    repetition_penalties = jax.random.uniform(ks[5], (B,), minval=1.0, maxval=1.5, dtype=jnp.float32)
    temperatures = jax.random.uniform(ks[6], (B,), minval=0.5, maxval=1.5, dtype=jnp.float32)
    top_ps = jax.random.uniform(ks[7], (B,), minval=0.8, maxval=1.0, dtype=jnp.float32)
    top_ks = jax.random.randint(ks[8], (B,), 1, 1000, dtype=jnp.int32)
    min_ps = jax.random.uniform(ks[9], (B,), minval=0.0, maxval=0.1, dtype=jnp.float32)
    return {
        'embedding': embedding,
        'hidden_states': hidden_states,
        'embedding_bias': embedding_bias,
        'output_token_ids': output_token_ids,
        'presence_penalties': presence_penalties,
        'frequency_penalties': frequency_penalties,
        'repetition_penalties': repetition_penalties,
        'temperatures': temperatures,
        'top_ps': top_ps,
        'top_ks': top_ks,
        'min_ps': min_ps,
    }


def reference(embedding, hidden_states, embedding_bias, output_token_ids,
              presence_penalties, frequency_penalties, repetition_penalties,
              temperatures, top_ps, top_ks, min_ps):
    # 1. logits = hidden @ E^T + bias (vLLM _get_logits)
    logits = hidden_states @ embedding.T + embedding_bias[None, :]

    # 2. presence / frequency / repetition penalties from output token history
    counts = jax.vmap(lambda ids: jnp.bincount(ids, length=VOCAB))(output_token_ids)
    countsf = counts.astype(logits.dtype)
    appeared = (counts > 0)
    rp = repetition_penalties[:, None]
    logits = jnp.where(appeared, jnp.where(logits > 0, logits / rp, logits * rp), logits)
    logits = logits - frequency_penalties[:, None] * countsf
    logits = logits - presence_penalties[:, None] * appeared.astype(logits.dtype)

    # 3. temperature scaling
    logits = logits / temperatures[:, None]

    # 4. top-p / top-k truncation (in sorted-descending domain, vLLM style)
    sorted_desc = -jnp.sort(-logits, axis=-1)
    probs_sort = jax.nn.softmax(sorted_desc, axis=-1)
    cum = jnp.cumsum(probs_sort, axis=-1)
    keep_p = (cum - probs_sort) < top_ps[:, None]
    idx = jnp.arange(VOCAB)[None, :]
    keep_k = idx < top_ks[:, None]
    keep = keep_p & keep_k
    keep = keep.at[:, 0].set(True)
    thresh = jnp.min(jnp.where(keep, sorted_desc, jnp.inf), axis=-1, keepdims=True)
    logits = jnp.where(logits >= thresh, logits, NEG)

    # 5. min-p filtering
    probs = jax.nn.softmax(logits, axis=-1)
    top_prob = jnp.max(probs, axis=-1, keepdims=True)
    scaled_min_p = min_ps[:, None] * top_prob
    logits = jnp.where(probs >= scaled_min_p, logits, NEG)

    # 6. probs / logprobs and (greedy, deterministic) sampling
    probs = jax.nn.softmax(logits, axis=-1)
    logprobs = jax.nn.log_softmax(logits, axis=-1)
    next_tokens = jnp.argmax(probs, axis=-1)
    sample_logprobs = jnp.take_along_axis(logprobs, next_tokens[:, None], axis=-1)[:, 0]
    return next_tokens, logprobs, sample_logprobs

if __name__ == "__main__":
    import jax
    _d = setup_inputs()
    print(jax.jit(kernel)(*tuple(_d.values())))

</pallas_src>

<mosaic_0001>
#map = affine_map<(d0, d1) -> (0)>
#map1 = affine_map<(d0, d1) -> (0, 0, 0)>
module attributes {stable_mosaic.version = 14 : i64} {
  func.func @new_body(%arg0: i32, %arg1: i32, %arg2: memref<12845056xf32, #tpu.memory_space<hbm>>, %arg3: memref<32x10x80xi32, #tpu.memory_space<hbm>>, %arg4: memref<32x10x80xf32, #tpu.memory_space<hbm>>, %arg5: memref<32x10x80xf32, #tpu.memory_space<hbm>>, %arg6: memref<32x10x80xf32, #tpu.memory_space<hbm>>, %arg7: memref<12845056xf32, #tpu.memory_space<hbm>>, %arg8: memref<10x80xi32, #tpu.memory_space<vmem>>, %arg9: memref<10x80xf32, #tpu.memory_space<vmem>>, %arg10: memref<10x80xf32, #tpu.memory_space<vmem>>, %arg11: memref<10x80xf32, #tpu.memory_space<vmem>>, %arg12: memref<10x80xf32, #tpu.memory_space<vmem>>, %arg13: memref<!tpu.dma_semaphore, #tpu.memory_space<semaphore_mem>>) attributes {dimension_semantics = [#tpu.dimension_semantics<core_parallel>, #tpu.dimension_semantics<subcore_parallel>], iteration_bounds = array<i64: 2, 16>, scalar_prefetch = 0 : i64, scratch_operands = 6 : i64, tpu.core_type = #tpu.core_type<sc_vector_subcore>, window_params = [{transform_indices = #map}, {transform_indices = #map1}, {transform_indices = #map1}, {transform_indices = #map1}, {transform_indices = #map1}, {transform_indices = #map}]} {
    %mul3A = arith.constant 2 : i32
    %mul3A_0 = arith.muli %arg1, %mul3A : i32
    %add3A = arith.addi %mul3A_0, %arg0 : i32
    "tpu.region"() ({
      %run_scoped3A = tpu.sem_alloc : memref<!tpu.dma_semaphore, #tpu.memory_space<semaphore_mem>>
      %dma_start3A_405 = arith.constant 0 : i32
      %dma_start3A_406 = arith.constant 0 : i32
      %dma_start3A_407 = tpu.memref_slice %arg3[%add3A, %dma_start3A_405, %dma_start3A_406] : memref<32x10x80xi32, #tpu.memory_space<hbm>> -> memref<1x10x80xi32, #tpu.memory_space<hbm>>
      %dma_start3A_408 = tpu.memref_squeeze %dma_start3A_407 : memref<1x10x80xi32, #tpu.memory_space<hbm>> -> memref<10x80xi32, #tpu.memory_space<hbm>>
      %dma_start3A_409 = arith.constant 0 : i32
      %dma_start3A_410 = arith.constant 0 : i32
      %dma_start3A_411 = tpu.memref_slice %arg3[%add3A, %dma_start3A_409, %dma_start3A_410] : memref<32x10x80xi32, #tpu.memory_space<hbm>> -> memref<1x10x80xi32, #tpu.memory_space<hbm>>
      %dma_start3A_412 = tpu.memref_squeeze %dma_start3A_411 : memref<1x10x80xi32, #tpu.memory_space<hbm>> -> memref<10x80xi32, #tpu.memory_space<hbm>>
      tpu.enqueue_dma source(%dma_start3A_412 : memref<10x80xi32, #tpu.memory_space<hbm>>) target(%arg8 : memref<10x80xi32, #tpu.memory_space<vmem>>) target_semaphore(%run_scoped3A : memref<!tpu.dma_semaphore, #tpu.memory_space<semaphore_mem>>)
      %dma_wait3A_413 = arith.constant 0 : i32
      %dma_wait3A_414 = arith.constant 0 : i32
      %dma_wait3A_415 = tpu.memref_slice %arg3[%add3A, %dma_wait3A_413, %dma_wait3A_414] : memref<32x10x80xi32, #tpu.memory_space<hbm>> -> memref<1x10x80xi32, #tpu.memory_space<hbm>>
      %dma_wait3A_416 = tpu.memref_squeeze %dma_wait3A_415 : memref<1x10x80xi32, #tpu.memory_space<hbm>> -> memref<10x80xi32, #tpu.memory_space<hbm>>
      %dma_wait3A_417 = arith.constant 0 : i32
      %dma_wait3A_418 = arith.constant 0 : i32
      %dma_wait3A_419 = tpu.memref_slice %arg3[%add3A, %dma_wait3A_417, %dma_wait3A_418] : memref<32x10x80xi32, #tpu.memory_space<hbm>> -> memref<1x10x80xi32, #tpu.memory_space<hbm>>
      %dma_wait3A_420 = tpu.memref_squeeze %dma_wait3A_419 : memref<1x10x80xi32, #tpu.memory_space<hbm>> -> memref<10x80xi32, #tpu.memory_space<hbm>>
      tpu.wait_dma2 semaphore(%run_scoped3A : memref<!tpu.dma_semaphore, #tpu.memory_space<semaphore_mem>>) src(%dma_wait3A_420 : memref<10x80xi32, #tpu.memory_space<hbm>>) dst(%arg8 : memref<10x80xi32, #tpu.memory_space<vmem>>)
      tpu.yield
    }) : () -> ()
    "tpu.region"() ({
      %run_scoped3A = tpu.sem_alloc : memref<!tpu.dma_semaphore, #tpu.memory_space<semaphore_mem>>
      %dma_start3A_405 = arith.constant 0 : i32
      %dma_start3A_406 = arith.constant 0 : i32
      %dma_start3A_407 = tpu.memref_slice %arg4[%add3A, %dma_start3A_405, %dma_start3A_406] : memref<32x10x80xf32, #tpu.memory_space<hbm>> -> memref<1x10x80xf32, #tpu.memory_space<hbm>>
      %dma_start3A_408 = tpu.memref_squeeze %dma_start3A_407 : memref<1x10x80xf32, #tpu.memory_space<hbm>> -> memref<10x80xf32, #tpu.memory_space<hbm>>
      %dma_start3A_409 = arith.constant 0 : i32
      %dma_start3A_410 = arith.constant 0 : i32
      %dma_start3A_411 = tpu.memref_slice %arg4[%add3A, %dma_start3A_409, %dma_start3A_410] : memref<32x10x80xf32, #tpu.memory_space<hbm>> -> memref<1x10x80xf32, #tpu.memory_space<hbm>>
      %dma_start3A_412 = tpu.memref_squeeze %dma_start3A_411 : memref<1x10x80xf32, #tpu.memory_space<hbm>> -> memref<10x80xf32, #tpu.memory_space<hbm>>
      tpu.enqueue_dma source(%dma_start3A_412 : memref<10x80xf32, #tpu.memory_space<hbm>>) target(%arg10 : memref<10x80xf32, #tpu.memory_space<vmem>>) target_semaphore(%run_scoped3A : memref<!tpu.dma_semaphore, #tpu.memory_space<semaphore_mem>>)
      %dma_wait3A_413 = arith.constant 0 : i32
      %dma_wait3A_414 = arith.constant 0 : i32
      %dma_wait3A_415 = tpu.memref_slice %arg4[%add3A, %dma_wait3A_413, %dma_wait3A_414] : memref<32x10x80xf32, #tpu.memory_space<hbm>> -> memref<1x10x80xf32, #tpu.memory_space<hbm>>
      %dma_wait3A_416 = tpu.memref_squeeze %dma_wait3A_415 : memref<1x10x80xf32, #tpu.memory_space<hbm>> -> memref<10x80xf32, #tpu.memory_space<hbm>>
      %dma_wait3A_417 = arith.constant 0 : i32
      %dma_wait3A_418 = arith.constant 0 : i32
      %dma_wait3A_419 = tpu.memref_slice %arg4[%add3A, %dma_wait3A_417, %dma_wait3A_418] : memref<32x10x80xf32, #tpu.memory_space<hbm>> -> memref<1x10x80xf32, #tpu.memory_space<hbm>>
      %dma_wait3A_420 = tpu.memref_squeeze %dma_wait3A_419 : memref<1x10x80xf32, #tpu.memory_space<hbm>> -> memref<10x80xf32, #tpu.memory_space<hbm>>
      tpu.wait_dma2 semaphore(%run_scoped3A : memref<!tpu.dma_semaphore, #tpu.memory_space<semaphore_mem>>) src(%dma_wait3A_420 : memref<10x80xf32, #tpu.memory_space<hbm>>) dst(%arg10 : memref<10x80xf32, #tpu.memory_space<vmem>>)
      tpu.yield
    }) : () -> ()
    "tpu.region"() ({
      %run_scoped3A = tpu.sem_alloc : memref<!tpu.dma_semaphore, #tpu.memory_space<semaphore_mem>>
      %dma_start3A_405 = arith.constant 0 : i32
      %dma_start3A_406 = arith.constant 0 : i32
      %dma_start3A_407 = tpu.memref_slice %arg5[%add3A, %dma_start3A_405, %dma_start3A_406] : memref<32x10x80xf32, #tpu.memory_space<hbm>> -> memref<1x10x80xf32, #tpu.memory_space<hbm>>
      %dma_start3A_408 = tpu.memref_squeeze %dma_start3A_407 : memref<1x10x80xf32, #tpu.memory_space<hbm>> -> memref<10x80xf32, #tpu.memory_space<hbm>>
      %dma_start3A_409 = arith.constant 0 : i32
      %dma_start3A_410 = arith.constant 0 : i32
      %dma_start3A_411 = tpu.memref_slice %arg5[%add3A, %dma_start3A_409, %dma_start3A_410] : memref<32x10x80xf32, #tpu.memory_space<hbm>> -> memref<1x10x80xf32, #tpu.memory_space<hbm>>
      %dma_start3A_412 = tpu.memref_squeeze %dma_start3A_411 : memref<1x10x80xf32, #tpu.memory_space<hbm>> -> memref<10x80xf32, #tpu.memory_space<hbm>>
      tpu.enqueue_dma source(%dma_start3A_412 : memref<10x80xf32, #tpu.memory_space<hbm>>) target(%arg11 : memref<10x80xf32, #tpu.memory_space<vmem>>) target_semaphore(%run_scoped3A : memref<!tpu.dma_semaphore, #tpu.memory_space<semaphore_mem>>)
      %dma_wait3A_413 = arith.constant 0 : i32
      %dma_wait3A_414 = arith.constant 0 : i32
      %dma_wait3A_415 = tpu.memref_slice %arg5[%add3A, %dma_wait3A_413, %dma_wait3A_414] : memref<32x10x80xf32, #tpu.memory_space<hbm>> -> memref<1x10x80xf32, #tpu.memory_space<hbm>>
      %dma_wait3A_416 = tpu.memref_squeeze %dma_wait3A_415 : memref<1x10x80xf32, #tpu.memory_space<hbm>> -> memref<10x80xf32, #tpu.memory_space<hbm>>
      %dma_wait3A_417 = arith.constant 0 : i32
      %dma_wait3A_418 = arith.constant 0 : i32
      %dma_wait3A_419 = tpu.memref_slice %arg5[%add3A, %dma_wait3A_417, %dma_wait3A_418] : memref<32x10x80xf32, #tpu.memory_space<hbm>> -> memref<1x10x80xf32, #tpu.memory_space<hbm>>
      %dma_wait3A_420 = tpu.memref_squeeze %dma_wait3A_419 : memref<1x10x80xf32, #tpu.memory_space<hbm>> -> memref<10x80xf32, #tpu.memory_space<hbm>>
      tpu.wait_dma2 semaphore(%run_scoped3A : memref<!tpu.dma_semaphore, #tpu.memory_space<semaphore_mem>>) src(%dma_wait3A_420 : memref<10x80xf32, #tpu.memory_space<hbm>>) dst(%arg11 : memref<10x80xf32, #tpu.memory_space<vmem>>)
      tpu.yield
    }) : () -> ()
    "tpu.region"() ({
      %run_scoped3A = tpu.sem_alloc : memref<!tpu.dma_semaphore, #tpu.memory_space<semaphore_mem>>
      %dma_start3A_405 = arith.constant 0 : i32
      %dma_start3A_406 = arith.constant 0 : i32
      %dma_start3A_407 = tpu.memref_slice %arg6[%add3A, %dma_start3A_405, %dma_start3A_406] : memref<32x10x80xf32, #tpu.memory_space<hbm>> -> memref<1x10x80xf32, #tpu.memory_space<hbm>>
      %dma_start3A_408 = tpu.memref_squeeze %dma_start3A_407 : memref<1x10x80xf32, #tpu.memory_space<hbm>> -> memref<10x80xf32, #tpu.memory_space<hbm>>
      %dma_start3A_409 = arith.constant 0 : i32
      %dma_start3A_410 = arith.constant 0 : i32
      %dma_start3A_411 = tpu.memref_slice %arg6[%add3A, %dma_start3A_409, %dma_start3A_410] : memref<32x10x80xf32, #tpu.memory_space<hbm>> -> memref<1x10x80xf32, #tpu.memory_space<hbm>>
      %dma_start3A_412 = tpu.memref_squeeze %dma_start3A_411 : memref<1x10x80xf32, #tpu.memory_space<hbm>> -> memref<10x80xf32, #tpu.memory_space<hbm>>
      tpu.enqueue_dma source(%dma_start3A_412 : memref<10x80xf32, #tpu.memory_space<hbm>>) target(%arg12 : memref<10x80xf32, #tpu.memory_space<vmem>>) target_semaphore(%run_scoped3A : memref<!tpu.dma_semaphore, #tpu.memory_space<semaphore_mem>>)
      %dma_wait3A_413 = arith.constant 0 : i32
      %dma_wait3A_414 = arith.constant 0 : i32
      %dma_wait3A_415 = tpu.memref_slice %arg6[%add3A, %dma_wait3A_413, %dma_wait3A_414] : memref<32x10x80xf32, #tpu.memory_space<hbm>> -> memref<1x10x80xf32, #tpu.memory_space<hbm>>
      %dma_wait3A_416 = tpu.memref_squeeze %dma_wait3A_415 : memref<1x10x80xf32, #tpu.memory_space<hbm>> -> memref<10x80xf32, #tpu.memory_space<hbm>>
      %dma_wait3A_417 = arith.constant 0 : i32
      %dma_wait3A_418 = arith.constant 0 : i32
      %dma_wait3A_419 = tpu.memref_slice %arg6[%add3A, %dma_wait3A_417, %dma_wait3A_418] : memref<32x10x80xf32, #tpu.memory_space<hbm>> -> memref<1x10x80xf32, #tpu.memory_space<hbm>>
      %dma_wait3A_420 = tpu.memref_squeeze %dma_wait3A_419 : memref<1x10x80xf32, #tpu.memory_space<hbm>> -> memref<10x80xf32, #tpu.memory_space<hbm>>
      tpu.wait_dma2 semaphore(%run_scoped3A : memref<!tpu.dma_semaphore, #tpu.memory_space<semaphore_mem>>) src(%dma_wait3A_420 : memref<10x80xf32, #tpu.memory_space<hbm>>) dst(%arg12 : memref<10x80xf32, #tpu.memory_space<vmem>>)
      tpu.yield
    }) : () -> ()
    %dma_start3A = arith.constant 0 : i32
    %dma_start3A_1 = arith.constant 0 : i32
    %dma_start3A_2 = arith.constant 0 : i32
    %dma_start3A_3 = tpu.memref_slice %arg9[%dma_start3A_1, %dma_start3A_2] : memref<10x80xf32, #tpu.memory_space<vmem>> -> memref<1x80xf32, #tpu.memory_space<vmem>>
    %dma_start3A_4 = tpu.memref_squeeze %dma_start3A_3 : memref<1x80xf32, #tpu.memory_space<vmem>> -> memref<80xf32, #tpu.memory_space<vmem>>
    %dma_start3A_5 = arith.constant 0 : i32
    %dma_start3A_6 = tpu.memref_slice %arg8[%dma_start3A, %dma_start3A_5] : memref<10x80xi32, #tpu.memory_space<vmem>> -> memref<1x80xi32, #tpu.memory_space<vmem>>
    %dma_start3A_7 = tpu.memref_squeeze %dma_start3A_6 : memref<1x80xi32, #tpu.memory_space<vmem>> -> memref<80xi32, #tpu.memory_space<vmem>>
    %dma_start3A_8 = arith.constant 0 : i32
    %dma_start3A_9 = tpu.memref_slice %arg2[%dma_start3A_8] : memref<12845056xf32, #tpu.memory_space<hbm>> -> memref<12845056xf32, #tpu.memory_space<hbm>>
    tpu.enqueue_indirect_dma source(%dma_start3A_9 : memref<12845056xf32, #tpu.memory_space<hbm>>) target(%dma_start3A_4 : memref<80xf32, #tpu.memory_space<vmem>>) offsets(%dma_start3A_7 : memref<80xi32, #tpu.memory_space<vmem>>) semaphore(%arg13 : memref<!tpu.dma_semaphore, #tpu.memory_space<semaphore_mem>>)
    %dma_wait3A = arith.constant 0 : i32
    %dma_wait3A_10 = arith.constant 0 : i32
    %dma_wait3A_11 = arith.constant 0 : i32
    %dma_wait3A_12 = tpu.memref_slice %arg9[%dma_wait3A_10, %dma_wait3A_11] : memref<10x80xf32, #tpu.memory_space<vmem>> -> memref<1x80xf32, #tpu.memory_space<vmem>>
    %dma_wait3A_13 = tpu.memref_squeeze %dma_wait3A_12 : memref<1x80xf32, #tpu.memory_space<vmem>> -> memref<80xf32, #tpu.memory_space<vmem>>
    %dma_wait3A_14 = arith.constant 0 : i32
    %dma_wait3A_15 = tpu.memref_slice %arg8[%dma_wait3A, %dma_wait3A_14] : memref<10x80xi32, #tpu.memory_space<vmem>> -> memref<1x80xi32, #tpu.memory_space<vmem>>
    %dma_wait3A_16 = tpu.memref_squeeze %dma_wait3A_15 : memref<1x80xi32, #tpu.memory_space<vmem>> -> memref<80xi32, #tpu.memory_space<vmem>>
    %dma_wait3A_17 = arith.constant 0 : i32
    %dma_wait3A_18 = tpu.memref_slice %arg2[%dma_wait3A_17] : memref<12845056xf32, #tpu.memory_space<hbm>> -> memref<12845056xf32, #tpu.memory_space<hbm>>
    tpu.wait_indirect_dma semaphore(%arg13 : memref<!tpu.dma_semaphore, #tpu.memory_space<semaphore_mem>>) src(%dma_wait3A_18 : memref<12845056xf32, #tpu.memory_space<hbm>>) dst(%dma_wait3A_13 : memref<80xf32, #tpu.memory_space<vmem>>)
    %dma_start3A_19 = arith.constant 1 : i32
    %dma_start3A_20 = arith.constant 1 : i32
    %dma_start3A_21 = arith.constant 0 : i32
    %dma_start3A_22 = tpu.memref_slice %arg9[%dma_start3A_20, %dma_start3A_21] : memref<10x80xf32, #tpu.memory_space<vmem>> -> memref<1x80xf32, #tpu.memory_space<vmem>>
    %dma_start3A_23 = tpu.memref_squeeze %dma_start3A_22 : memref<1x80xf32, #tpu.memory_space<vmem>> -> memref<80xf32, #tpu.memory_space<vmem>>
    %dma_start3A_24 = arith.constant 0 : i32
    %dma_start3A_25 = tpu.memref_slice %arg8[%dma_start3A_19, %dma_start3A_24] : memref<10x80xi32, #tpu.memory_space<vmem>> -> memref<1x80xi32, #tpu.memory_space<vmem>>
    %dma_start3A_26 = tpu.memref_squeeze %dma_start3A_25 : memref<1x80xi32, #tpu.memory_space<vmem>> -> memref<80xi32, #tpu.memory_space<vmem>>
    %dma_start3A_27 = arith.constant 0 : i32
    %dma_start3A_28 = tpu.memref_slice %arg2[%dma_start3A_27] : memref<12845056xf32, #tpu.memory_space<hbm>> -> memref<12845056xf32, #tpu.memory_space<hbm>>
    tpu.enqueue_indirect_dma source(%dma_start3A_28 : memref<12845056xf32, #tpu.memory_space<hbm>>) target(%dma_start3A_23 : memref<80xf32, #tpu.memory_space<vmem>>) offsets(%dma_start3A_26 : memref<80xi32, #tpu.memory_space<vmem>>) semaphore(%arg13 : memref<!tpu.dma_semaphore, #tpu.memory_space<semaphore_mem>>)
    %dma_wait3A_29 = arith.constant 1 : i32
    %dma_wait3A_30 = arith.constant 1 : i32
    %dma_wait3A_31 = arith.constant 0 : i32
    %dma_wait3A_32 = tpu.memref_slice %arg9[%dma_wait3A_30, %dma_wait3A_31] : memref<10x80xf32, #tpu.memory_space<vmem>> -> memref<1x80xf32, #tpu.memory_space<vmem>>
    %dma_wait3A_33 = tpu.memref_squeeze %dma_wait3A_32 : memref<1x80xf32, #tpu.memory_space<vmem>> -> memref<80xf32, #tpu.memory_space<vmem>>
    %dma_wait3A_34 = arith.constant 0 : i32
    %dma_wait3A_35 = tpu.memref_slice %arg8[%dma_wait3A_29, %dma_wait3A_34] : memref<10x80xi32, #tpu.memory_space<vmem>> -> memref<1x80xi32, #tpu.memory_space<vmem>>
    %dma_wait3A_36 = tpu.memref_squeeze %dma_wait3A_35 : memref<1x80xi32, #tpu.memory_space<vmem>> -> memref<80xi32, #tpu.memory_space<vmem>>
    %dma_wait3A_37 = arith.constant 0 : i32
    %dma_wait3A_38 = tpu.memref_slice %arg2[%dma_wait3A_37] : memref<12845056xf32, #tpu.memory_space<hbm>> -> memref<12845056xf32, #tpu.memory_space<hbm>>
    tpu.wait_indirect_dma semaphore(%arg13 : memref<!tpu.dma_semaphore, #tpu.memory_space<semaphore_mem>>) src(%dma_wait3A_38 : memref<12845056xf32, #tpu.memory_space<hbm>>) dst(%dma_wait3A_33 : memref<80xf32, #tpu.memory_space<vmem>>)
    %dma_start3A_39 = arith.constant 2 : i32
    %dma_start3A_40 = arith.constant 2 : i32
    %dma_start3A_41 = arith.constant 0 : i32
    %dma_start3A_42 = tpu.memref_slice %arg9[%dma_start3A_40, %dma_start3A_41] : memref<10x80xf32, #tpu.memory_space<vmem>> -> memref<1x80xf32, #tpu.memory_space<vmem>>
    %dma_start3A_43 = tpu.memref_squeeze %dma_start3A_42 : memref<1x80xf32, #tpu.memory_space<vmem>> -> memref<80xf32, #tpu.memory_space<vmem>>
    %dma_start3A_44 = arith.constant 0 : i32
    %dma_start3A_45 = tpu.memref_slice %arg8[%dma_start3A_39, %dma_start3A_44] : memref<10x80xi32, #tpu.memory_space<vmem>> -> memref<1x80xi32, #tpu.memory_space<vmem>>
    %dma_start3A_46 = tpu.memref_squeeze %dma_start3A_45 : memref<1x80xi32, #tpu.memory_space<vmem>> -> memref<80xi32, #tpu.memory_space<vmem>>
    %dma_start3A_47 = arith.constant 0 : i32
    %dma_start3A_48 = tpu.memref_slice %arg2[%dma_start3A_47] : memref<12845056xf32, #tpu.memory_space<hbm>> -> memref<12845056xf32, #tpu.memory_space<hbm>>
    tpu.enqueue_indirect_dma source(%dma_start3A_48 : memref<12845056xf32, #tpu.memory_space<hbm>>) target(%dma_start3A_43 : memref<80xf32, #tpu.memory_space<vmem>>) offsets(%dma_start3A_46 : memref<80xi32, #tpu.memory_space<vmem>>) semaphore(%arg13 : memref<!tpu.dma_semaphore, #tpu.memory_space<semaphore_mem>>)
    %dma_wait3A_49 = arith.constant 2 : i32
    %dma_wait3A_50 = arith.constant 2 : i32
    %dma_wait3A_51 = arith.constant 0 : i32
    %dma_wait3A_52 = tpu.memref_slice %arg9[%dma_wait3A_50, %dma_wait3A_51] : memref<10x80xf32, #tpu.memory_space<vmem>> -> memref<1x80xf32, #tpu.memory_space<vmem>>
    %dma_wait3A_53 = tpu.memref_squeeze %dma_wait3A_52 : memref<1x80xf32, #tpu.memory_space<vmem>> -> memref<80xf32, #tpu.memory_space<vmem>>
    %dma_wait3A_54 = arith.constant 0 : i32
    %dma_wait3A_55 = tpu.memref_slice %arg8[%dma_wait3A_49, %dma_wait3A_54] : memref<10x80xi32, #tpu.memory_space<vmem>> -> memref<1x80xi32, #tpu.memory_space<vmem>>
    %dma_wait3A_56 = tpu.memref_squeeze %dma_wait3A_55 : memref<1x80xi32, #tpu.memory_space<vmem>> -> memref<80xi32, #tpu.memory_space<vmem>>
    %dma_wait3A_57 = arith.constant 0 : i32
    %dma_wait3A_58 = tpu.memref_slice %arg2[%dma_wait3A_57] : memref<12845056xf32, #tpu.memory_space<hbm>> -> memref<12845056xf32, #tpu.memory_space<hbm>>
    tpu.wait_indirect_dma semaphore(%arg13 : memref<!tpu.dma_semaphore, #tpu.memory_space<semaphore_mem>>) src(%dma_wait3A_58 : memref<12845056xf32, #tpu.memory_space<hbm>>) dst(%dma_wait3A_53 : memref<80xf32, #tpu.memory_space<vmem>>)
    %dma_start3A_59 = arith.constant 3 : i32
    %dma_start3A_60 = arith.constant 3 : i32
    %dma_start3A_61 = arith.constant 0 : i32
    %dma_start3A_62 = tpu.memref_slice %arg9[%dma_start3A_60, %dma_start3A_61] : memref<10x80xf32, #tpu.memory_space<vmem>> -> memref<1x80xf32, #tpu.memory_space<vmem>>
    %dma_start3A_63 = tpu.memref_squeeze %dma_start3A_62 : memref<1x80xf32, #tpu.memory_space<vmem>> -> memref<80xf32, #tpu.memory_space<vmem>>
    %dma_start3A_64 = arith.constant 0 : i32
    %dma_start3A_65 = tpu.memref_slice %arg8[%dma_start3A_59, %dma_start3A_64] : memref<10x80xi32, #tpu.memory_space<vmem>> -> memref<1x80xi32, #tpu.memory_space<vmem>>
    %dma_start3A_66 = tpu.memref_squeeze %dma_start3A_65 : memref<1x80xi32, #tpu.memory_space<vmem>> -> memref<80xi32, #tpu.memory_space<vmem>>
    %dma_start3A_67 = arith.constant 0 : i32
    %dma_start3A_68 = tpu.memref_slice %arg2[%dma_start3A_67] : memref<12845056xf32, #tpu.memory_space<hbm>> -> memref<12845056xf32, #tpu.memory_space<hbm>>
    tpu.enqueue_indirect_dma source(%dma_start3A_68 : memref<12845056xf32, #tpu.memory_space<hbm>>) target(%dma_start3A_63 : memref<80xf32, #tpu.memory_space<vmem>>) offsets(%dma_start3A_66 : memref<80xi32, #tpu.memory_space<vmem>>) semaphore(%arg13 : memref<!tpu.dma_semaphore, #tpu.memory_space<semaphore_mem>>)
    %dma_wait3A_69 = arith.constant 3 : i32
    %dma_wait3A_70 = arith.constant 3 : i32
    %dma_wait3A_71 = arith.constant 0 : i32
    %dma_wait3A_72 = tpu.memref_slice %arg9[%dma_wait3A_70, %dma_wait3A_71] : memref<10x80xf32, #tpu.memory_space<vmem>> -> memref<1x80xf32, #tpu.memory_space<vmem>>
    %dma_wait3A_73 = tpu.memref_squeeze %dma_wait3A_72 : memref<1x80xf32, #tpu.memory_space<vmem>> -> memref<80xf32, #tpu.memory_space<vmem>>
    %dma_wait3A_74 = arith.constant 0 : i32
    %dma_wait3A_75 = tpu.memref_slice %arg8[%dma_wait3A_69, %dma_wait3A_74] : memref<10x80xi32, #tpu.memory_space<vmem>> -> memref<1x80xi32, #tpu.memory_space<vmem>>
    %dma_wait3A_76 = tpu.memref_squeeze %dma_wait3A_75 : memref<1x80xi32, #tpu.memory_space<vmem>> -> memref<80xi32, #tpu.memory_space<vmem>>
    %dma_wait3A_77 = arith.constant 0 : i32
    %dma_wait3A_78 = tpu.memref_slice %arg2[%dma_wait3A_77] : memref<12845056xf32, #tpu.memory_space<hbm>> -> memref<12845056xf32, #tpu.memory_space<hbm>>
    tpu.wait_indirect_dma semaphore(%arg13 : memref<!tpu.dma_semaphore, #tpu.memory_space<semaphore_mem>>) src(%dma_wait3A_78 : memref<12845056xf32, #tpu.memory_space<hbm>>) dst(%dma_wait3A_73 : memref<80xf32, #tpu.memory_space<vmem>>)
    %dma_start3A_79 = arith.constant 4 : i32
    %dma_start3A_80 = arith.constant 4 : i32
    %dma_start3A_81 = arith.constant 0 : i32
    %dma_start3A_82 = tpu.memref_slice %arg9[%dma_start3A_80, %dma_start3A_81] : memref<10x80xf32, #tpu.memory_space<vmem>> -> memref<1x80xf32, #tpu.memory_space<vmem>>
    %dma_start3A_83 = tpu.memref_squeeze %dma_start3A_82 : memref<1x80xf32, #tpu.memory_space<vmem>> -> memref<80xf32, #tpu.memory_space<vmem>>
    %dma_start3A_84 = arith.constant 0 : i32
    %dma_start3A_85 = tpu.memref_slice %arg8[%dma_start3A_79, %dma_start3A_84] : memref<10x80xi32, #tpu.memory_space<vmem>> -> memref<1x80xi32, #tpu.memory_space<vmem>>
    %dma_start3A_86 = tpu.memref_squeeze %dma_start3A_85 : memref<1x80xi32, #tpu.memory_space<vmem>> -> memref<80xi32, #tpu.memory_space<vmem>>
    %dma_start3A_87 = arith.constant 0 : i32
    %dma_start3A_88 = tpu.memref_slice %arg2[%dma_start3A_87] : memref<12845056xf32, #tpu.memory_space<hbm>> -> memref<12845056xf32, #tpu.memory_space<hbm>>
    tpu.enqueue_indirect_dma source(%dma_start3A_88 : memref<12845056xf32, #tpu.memory_space<hbm>>) target(%dma_start3A_83 : memref<80xf32, #tpu.memory_space<vmem>>) offsets(%dma_start3A_86 : memref<80xi32, #tpu.memory_space<vmem>>) semaphore(%arg13 : memref<!tpu.dma_semaphore, #tpu.memory_space<semaphore_mem>>)
    %dma_wait3A_89 = arith.constant 4 : i32
    %dma_wait3A_90 = arith.constant 4 : i32
    %dma_wait3A_91 = arith.constant 0 : i32
    %dma_wait3A_92 = tpu.memref_slice %arg9[%dma_wait3A_90, %dma_wait3A_91] : memref<10x80xf32, #tpu.memory_space<vmem>> -> memref<1x80xf32, #tpu.memory_space<vmem>>
    %dma_wait3A_93 = tpu.memref_squeeze %dma_wait3A_92 : memref<1x80xf32, #tpu.memory_space<vmem>> -> memref<80xf32, #tpu.memory_space<vmem>>
    %dma_wait3A_94 = arith.constant 0 : i32
    %dma_wait3A_95 = tpu.memref_slice %arg8[%dma_wait3A_89, %dma_wait3A_94] : memref<10x80xi32, #tpu.memory_space<vmem>> -> memref<1x80xi32, #tpu.memory_space<vmem>>
    %dma_wait3A_96 = tpu.memref_squeeze %dma_wait3A_95 : memref<1x80xi32, #tpu.memory_space<vmem>> -> memref<80xi32, #tpu.memory_space<vmem>>
    %dma_wait3A_97 = arith.constant 0 : i32
    %dma_wait3A_98 = tpu.memref_slice %arg2[%dma_wait3A_97] : memref<12845056xf32, #tpu.memory_space<hbm>> -> memref<12845056xf32, #tpu.memory_space<hbm>>
    tpu.wait_indirect_dma semaphore(%arg13 : memref<!tpu.dma_semaphore, #tpu.memory_space<semaphore_mem>>) src(%dma_wait3A_98 : memref<12845056xf32, #tpu.memory_space<hbm>>) dst(%dma_wait3A_93 : memref<80xf32, #tpu.memory_space<vmem>>)
    %dma_start3A_99 = arith.constant 5 : i32
    %dma_start3A_100 = arith.constant 5 : i32
    %dma_start3A_101 = arith.constant 0 : i32
    %dma_start3A_102 = tpu.memref_slice %arg9[%dma_start3A_100, %dma_start3A_101] : memref<10x80xf32, #tpu.memory_space<vmem>> -> memref<1x80xf32, #tpu.memory_space<vmem>>
    %dma_start3A_103 = tpu.memref_squeeze %dma_start3A_102 : memref<1x80xf32, #tpu.memory_space<vmem>> -> memref<80xf32, #tpu.memory_space<vmem>>
    %dma_start3A_104 = arith.constant 0 : i32
    %dma_start3A_105 = tpu.memref_slice %arg8[%dma_start3A_99, %dma_start3A_104] : memref<10x80xi32, #tpu.memory_space<vmem>> -> memref<1x80xi32, #tpu.memory_space<vmem>>
    %dma_start3A_106 = tpu.memref_squeeze %dma_start3A_105 : memref<1x80xi32, #tpu.memory_space<vmem>> -> memref<80xi32, #tpu.memory_space<vmem>>
    %dma_start3A_107 = arith.constant 0 : i32
    %dma_start3A_108 = tpu.memref_slice %arg2[%dma_start3A_107] : memref<12845056xf32, #tpu.memory_space<hbm>> -> memref<12845056xf32, #tpu.memory_space<hbm>>
    tpu.enqueue_indirect_dma source(%dma_start3A_108 : memref<12845056xf32, #tpu.memory_space<hbm>>) target(%dma_start3A_103 : memref<80xf32, #tpu.memory_space<vmem>>) offsets(%dma_start3A_106 : memref<80xi32, #tpu.memory_space<vmem>>) semaphore(%arg13 : memref<!tpu.dma_semaphore, #tpu.memory_space<semaphore_mem>>)
    %dma_wait3A_109 = arith.constant 5 : i32
    %dma_wait3A_110 = arith.constant 5 : i32
    %dma_wait3A_111 = arith.constant 0 : i32
    %dma_wait3A_112 = tpu.memref_slice %arg9[%dma_wait3A_110, %dma_wait3A_111] : memref<10x80xf32, #tpu.memory_space<vmem>> -> memref<1x80xf32, #tpu.memory_space<vmem>>
    %dma_wait3A_113 = tpu.memref_squeeze %dma_wait3A_112 : memref<1x80xf32, #tpu.memory_space<vmem>> -> memref<80xf32, #tpu.memory_space<vmem>>
    %dma_wait3A_114 = arith.constant 0 : i32
    %dma_wait3A_115 = tpu.memref_slice %arg8[%dma_wait3A_109, %dma_wait3A_114] : memref<10x80xi32, #tpu.memory_space<vmem>> -> memref<1x80xi32, #tpu.memory_space<vmem>>
    %dma_wait3A_116 = tpu.memref_squeeze %dma_wait3A_115 : memref<1x80xi32, #tpu.memory_space<vmem>> -> memref<80xi32, #tpu.memory_space<vmem>>
    %dma_wait3A_117 = arith.constant 0 : i32
    %dma_wait3A_118 = tpu.memref_slice %arg2[%dma_wait3A_117] : memref<12845056xf32, #tpu.memory_space<hbm>> -> memref<12845056xf32, #tpu.memory_space<hbm>>
    tpu.wait_indirect_dma semaphore(%arg13 : memref<!tpu.dma_semaphore, #tpu.memory_space<semaphore_mem>>) src(%dma_wait3A_118 : memref<12845056xf32, #tpu.memory_space<hbm>>) dst(%dma_wait3A_113 : memref<80xf32, #tpu.memory_space<vmem>>)
    %dma_start3A_119 = arith.constant 6 : i32
    %dma_start3A_120 = arith.constant 6 : i32
    %dma_start3A_121 = arith.constant 0 : i32
    %dma_start3A_122 = tpu.memref_slice %arg9[%dma_start3A_120, %dma_start3A_121] : memref<10x80xf32, #tpu.memory_space<vmem>> -> memref<1x80xf32, #tpu.memory_space<vmem>>
    %dma_start3A_123 = tpu.memref_squeeze %dma_start3A_122 : memref<1x80xf32, #tpu.memory_space<vmem>> -> memref<80xf32, #tpu.memory_space<vmem>>
    %dma_start3A_124 = arith.constant 0 : i32
    %dma_start3A_125 = tpu.memref_slice %arg8[%dma_start3A_119, %dma_start3A_124] : memref<10x80xi32, #tpu.memory_space<vmem>> -> memref<1x80xi32, #tpu.memory_space<vmem>>
    %dma_start3A_126 = tpu.memref_squeeze %dma_start3A_125 : memref<1x80xi32, #tpu.memory_space<vmem>> -> memref<80xi32, #tpu.memory_space<vmem>>
    %dma_start3A_127 = arith.constant 0 : i32
    %dma_start3A_128 = tpu.memref_slice %arg2[%dma_start3A_127] : memref<12845056xf32, #tpu.memory_space<hbm>> -> memref<12845056xf32, #tpu.memory_space<hbm>>
    tpu.enqueue_indirect_dma source(%dma_start3A_128 : memref<12845056xf32, #tpu.memory_space<hbm>>) target(%dma_start3A_123 : memref<80xf32, #tpu.memory_space<vmem>>) offsets(%dma_start3A_126 : memref<80xi32, #tpu.memory_space<vmem>>) semaphore(%arg13 : memref<!tpu.dma_semaphore, #tpu.memory_space<semaphore_mem>>)
    %dma_wait3A_129 = arith.constant 6 : i32
    %dma_wait3A_130 = arith.constant 6 : i32
    %dma_wait3A_131 = arith.constant 0 : i32
    %dma_wait3A_132 = tpu.memref_slice %arg9[%dma_wait3A_130, %dma_wait3A_131] : memref<10x80xf32, #tpu.memory_space<vmem>> -> memref<1x80xf32, #tpu.memory_space<vmem>>
    %dma_wait3A_133 = tpu.memref_squeeze %dma_wait3A_132 : memref<1x80xf32, #tpu.memory_space<vmem>> -> memref<80xf32, #tpu.memory_space<vmem>>
    %dma_wait3A_134 = arith.constant 0 : i32
    %dma_wait3A_135 = tpu.memref_slice %arg8[%dma_wait3A_129, %dma_wait3A_134] : memref<10x80xi32, #tpu.memory_space<vmem>> -> memref<1x80xi32, #tpu.memory_space<vmem>>
    %dma_wait3A_136 = tpu.memref_squeeze %dma_wait3A_135 : memref<1x80xi32, #tpu.memory_space<vmem>> -> memref<80xi32, #tpu.memory_space<vmem>>
    %dma_wait3A_137 = arith.constant 0 : i32
    %dma_wait3A_138 = tpu.memref_slice %arg2[%dma_wait3A_137] : memref<12845056xf32, #tpu.memory_space<hbm>> -> memref<12845056xf32, #tpu.memory_space<hbm>>
    tpu.wait_indirect_dma semaphore(%arg13 : memref<!tpu.dma_semaphore, #tpu.memory_space<semaphore_mem>>) src(%dma_wait3A_138 : memref<12845056xf32, #tpu.memory_space<hbm>>) dst(%dma_wait3A_133 : memref<80xf32, #tpu.memory_space<vmem>>)
    %dma_start3A_139 = arith.constant 7 : i32
    %dma_start3A_140 = arith.constant 7 : i32
    %dma_start3A_141 = arith.constant 0 : i32
    %dma_start3A_142 = tpu.memref_slice %arg9[%dma_start3A_140, %dma_start3A_141] : memref<10x80xf32, #tpu.memory_space<vmem>> -> memref<1x80xf32, #tpu.memory_space<vmem>>
    %dma_start3A_143 = tpu.memref_squeeze %dma_start3A_142 : memref<1x80xf32, #tpu.memory_space<vmem>> -> memref<80xf32, #tpu.memory_space<vmem>>
    %dma_start3A_144 = arith.constant 0 : i32
    %dma_start3A_145 = tpu.memref_slice %arg8[%dma_start3A_139, %dma_start3A_144] : memref<10x80xi32, #tpu.memory_space<vmem>> -> memref<1x80xi32, #tpu.memory_space<vmem>>
    %dma_start3A_146 = tpu.memref_squeeze %dma_start3A_145 : memref<1x80xi32, #tpu.memory_space<vmem>> -> memref<80xi32, #tpu.memory_space<vmem>>
    %dma_start3A_147 = arith.constant 0 : i32
    %dma_start3A_148 = tpu.memref_slice %arg2[%dma_start3A_147] : memref<12845056xf32, #tpu.memory_space<hbm>> -> memref<12845056xf32, #tpu.memory_space<hbm>>
    tpu.enqueue_indirect_dma source(%dma_start3A_148 : memref<12845056xf32, #tpu.memory_space<hbm>>) target(%dma_start3A_143 : memref<80xf32, #tpu.memory_space<vmem>>) offsets(%dma_start3A_146 : memref<80xi32, #tpu.memory_space<vmem>>) semaphore(%arg13 : memref<!tpu.dma_semaphore, #tpu.memory_space<semaphore_mem>>)
    %dma_wait3A_149 = arith.constant 7 : i32
    %dma_wait3A_150 = arith.constant 7 : i32
    %dma_wait3A_151 = arith.constant 0 : i32
    %dma_wait3A_152 = tpu.memref_slice %arg9[%dma_wait3A_150, %dma_wait3A_151] : memref<10x80xf32, #tpu.memory_space<vmem>> -> memref<1x80xf32, #tpu.memory_space<vmem>>
    %dma_wait3A_153 = tpu.memref_squeeze %dma_wait3A_152 : memref<1x80xf32, #tpu.memory_space<vmem>> -> memref<80xf32, #tpu.memory_space<vmem>>
    %dma_wait3A_154 = arith.constant 0 : i32
    %dma_wait3A_155 = tpu.memref_slice %arg8[%dma_wait3A_149, %dma_wait3A_154] : memref<10x80xi32, #tpu.memory_space<vmem>> -> memref<1x80xi32, #tpu.memory_space<vmem>>
    %dma_wait3A_156 = tpu.memref_squeeze %dma_wait3A_155 : memref<1x80xi32, #tpu.memory_space<vmem>> -> memref<80xi32, #tpu.memory_space<vmem>>
    %dma_wait3A_157 = arith.constant 0 : i32
    %dma_wait3A_158 = tpu.memref_slice %arg2[%dma_wait3A_157] : memref<12845056xf32, #tpu.memory_space<hbm>> -> memref<12845056xf32, #tpu.memory_space<hbm>>
    tpu.wait_indirect_dma semaphore(%arg13 : memref<!tpu.dma_semaphore, #tpu.memory_space<semaphore_mem>>) src(%dma_wait3A_158 : memref<12845056xf32, #tpu.memory_space<hbm>>) dst(%dma_wait3A_153 : memref<80xf32, #tpu.memory_space<vmem>>)
    %dma_start3A_159 = arith.constant 8 : i32
    %dma_start3A_160 = arith.constant 8 : i32
    %dma_start3A_161 = arith.constant 0 : i32
    %dma_start3A_162 = tpu.memref_slice %arg9[%dma_start3A_160, %dma_start3A_161] : memref<10x80xf32, #tpu.memory_space<vmem>> -> memref<1x80xf32, #tpu.memory_space<vmem>>
    %dma_start3A_163 = tpu.memref_squeeze %dma_start3A_162 : memref<1x80xf32, #tpu.memory_space<vmem>> -> memref<80xf32, #tpu.memory_space<vmem>>
    %dma_start3A_164 = arith.constant 0 : i32
    %dma_start3A_165 = tpu.memref_slice %arg8[%dma_start3A_159, %dma_start3A_164] : memref<10x80xi32, #tpu.memory_space<vmem>> -> memref<1x80xi32, #tpu.memory_space<vmem>>
    %dma_start3A_166 = tpu.memref_squeeze %dma_start3A_165 : memref<1x80xi32, #tpu.memory_space<vmem>> -> memref<80xi32, #tpu.memory_space<vmem>>
    %dma_start3A_167 = arith.constant 0 : i32
    %dma_start3A_168 = tpu.memref_slice %arg2[%dma_start3A_167] : memref<12845056xf32, #tpu.memory_space<hbm>> -> memref<12845056xf32, #tpu.memory_space<hbm>>
    tpu.enqueue_indirect_dma source(%dma_start3A_168 : memref<12845056xf32, #tpu.memory_space<hbm>>) target(%dma_start3A_163 : memref<80xf32, #tpu.memory_space<vmem>>) offsets(%dma_start3A_166 : memref<80xi32, #tpu.memory_space<vmem>>) semaphore(%arg13 : memref<!tpu.dma_semaphore, #tpu.memory_space<semaphore_mem>>)
    %dma_wait3A_169 = arith.constant 8 : i32
    %dma_wait3A_170 = arith.constant 8 : i32
    %dma_wait3A_171 = arith.constant 0 : i32
    %dma_wait3A_172 = tpu.memref_slice %arg9[%dma_wait3A_170, %dma_wait3A_171] : memref<10x80xf32, #tpu.memory_space<vmem>> -> memref<1x80xf32, #tpu.memory_space<vmem>>
    %dma_wait3A_173 = tpu.memref_squeeze %dma_wait3A_172 : memref<1x80xf32, #tpu.memory_space<vmem>> -> memref<80xf32, #tpu.memory_space<vmem>>
    %dma_wait3A_174 = arith.constant 0 : i32
    %dma_wait3A_175 = tpu.memref_slice %arg8[%dma_wait3A_169, %dma_wait3A_174] : memref<10x80xi32, #tpu.memory_space<vmem>> -> memref<1x80xi32, #tpu.memory_space<vmem>>
    %dma_wait3A_176 = tpu.memref_squeeze %dma_wait3A_175 : memref<1x80xi32, #tpu.memory_space<vmem>> -> memref<80xi32, #tpu.memory_space<vmem>>
    %dma_wait3A_177 = arith.constant 0 : i32
    %dma_wait3A_178 = tpu.memref_slice %arg2[%dma_wait3A_177] : memref<12845056xf32, #tpu.memory_space<hbm>> -> memref<12845056xf32, #tpu.memory_space<hbm>>
    tpu.wait_indirect_dma semaphore(%arg13 : memref<!tpu.dma_semaphore, #tpu.memory_space<semaphore_mem>>) src(%dma_wait3A_178 : memref<12845056xf32, #tpu.memory_space<hbm>>) dst(%dma_wait3A_173 : memref<80xf32, #tpu.memory_space<vmem>>)
    %dma_start3A_179 = arith.constant 9 : i32
    %dma_start3A_180 = arith.constant 9 : i32
    %dma_start3A_181 = arith.constant 0 : i32
    %dma_start3A_182 = tpu.memref_slice %arg9[%dma_start3A_180, %dma_start3A_181] : memref<10x80xf32, #tpu.memory_space<vmem>> -> memref<1x80xf32, #tpu.memory_space<vmem>>
    %dma_start3A_183 = tpu.memref_squeeze %dma_start3A_182 : memref<1x80xf32, #tpu.memory_space<vmem>> -> memref<80xf32, #tpu.memory_space<vmem>>
    %dma_start3A_184 = arith.constant 0 : i32
    %dma_start3A_185 = tpu.memref_slice %arg8[%dma_start3A_179, %dma_start3A_184] : memref<10x80xi32, #tpu.memory_space<vmem>> -> memref<1x80xi32, #tpu.memory_space<vmem>>
    %dma_start3A_186 = tpu.memref_squeeze %dma_start3A_185 : memref<1x80xi32, #tpu.memory_space<vmem>> -> memref<80xi32, #tpu.memory_space<vmem>>
    %dma_start3A_187 = arith.constant 0 : i32
    %dma_start3A_188 = tpu.memref_slice %arg2[%dma_start3A_187] : memref<12845056xf32, #tpu.memory_space<hbm>> -> memref<12845056xf32, #tpu.memory_space<hbm>>
    tpu.enqueue_indirect_dma source(%dma_start3A_188 : memref<12845056xf32, #tpu.memory_space<hbm>>) target(%dma_start3A_183 : memref<80xf32, #tpu.memory_space<vmem>>) offsets(%dma_start3A_186 : memref<80xi32, #tpu.memory_space<vmem>>) semaphore(%arg13 : memref<!tpu.dma_semaphore, #tpu.memory_space<semaphore_mem>>)
    %dma_wait3A_189 = arith.constant 9 : i32
    %dma_wait3A_190 = arith.constant 9 : i32
    %dma_wait3A_191 = arith.constant 0 : i32
    %dma_wait3A_192 = tpu.memref_slice %arg9[%dma_wait3A_190, %dma_wait3A_191] : memref<10x80xf32, #tpu.memory_space<vmem>> -> memref<1x80xf32, #tpu.memory_space<vmem>>
    %dma_wait3A_193 = tpu.memref_squeeze %dma_wait3A_192 : memref<1x80xf32, #tpu.memory_space<vmem>> -> memref<80xf32, #tpu.memory_space<vmem>>
    %dma_wait3A_194 = arith.constant 0 : i32
    %dma_wait3A_195 = tpu.memref_slice %arg8[%dma_wait3A_189, %dma_wait3A_194] : memref<10x80xi32, #tpu.memory_space<vmem>> -> memref<1x80xi32, #tpu.memory_space<vmem>>
    %dma_wait3A_196 = tpu.memref_squeeze %dma_wait3A_195 : memref<1x80xi32, #tpu.memory_space<vmem>> -> memref<80xi32, #tpu.memory_space<vmem>>
    %dma_wait3A_197 = arith.constant 0 : i32
    %dma_wait3A_198 = tpu.memref_slice %arg2[%dma_wait3A_197] : memref<12845056xf32, #tpu.memory_space<hbm>> -> memref<12845056xf32, #tpu.memory_space<hbm>>
    tpu.wait_indirect_dma semaphore(%arg13 : memref<!tpu.dma_semaphore, #tpu.memory_space<semaphore_mem>>) src(%dma_wait3A_198 : memref<12845056xf32, #tpu.memory_space<hbm>>) dst(%dma_wait3A_193 : memref<80xf32, #tpu.memory_space<vmem>>)
    %scan3A = arith.constant 0 : i32
    %scan3A_199 = arith.constant 0 : i32
    %scan3A_200 = arith.constant 10 : i32
    %scan3A_201 = arith.addi %scan3A_199, %scan3A_200 : i32
    %scan3A_202 = arith.constant 1 : i32
    %scan3A_203 = scf.for %scan3A_405 = %scan3A_199 to %scan3A_201 step %scan3A_202 iter_args(%scan3A_406 = %scan3A) -> (i32)  : i32 {
      %scan3A_407 = arith.constant 0 : i32
      %scan3A_408 = arith.constant 0 : i32
      %scan3A_409 = arith.constant 5 : i32
      %scan3A_410 = arith.addi %scan3A_408, %scan3A_409 : i32
      %scan3A_411 = arith.constant 1 : i32
      %scan3A_412 = scf.for %scan3A_414 = %scan3A_408 to %scan3A_410 step %scan3A_411 iter_args(%scan3A_415 = %scan3A_407) -> (i32)  : i32 {
        %mul3A_416 = arith.constant 16 : i32
        %mul3A_417 = arith.muli %scan3A_414, %mul3A_416 : i32
        %get3A = arith.index_cast %scan3A_405 : i32 to index
        %get3A_418 = arith.index_cast %mul3A_417 : i32 to index
        %get3A_419 = tpu.vector_load %arg9[%get3A, %get3A_418] {strides = array<i32>} : memref<10x80xf32, #tpu.memory_space<vmem>>, vector<1x16xf32>,
        %get3A_420 = vector.shape_cast %get3A_419 : vector<1x16xf32> to vector<16xf32>
        %gt3A = arith.constant 0.000000e+00 : f32
        %gt3A_421 = vector.broadcast %gt3A : f32 to vector<16xf32>
        %gt3A_422 = arith.cmpf ogt, %get3A_420, %gt3A_421 : vector<16xf32>
        %get3A_423 = arith.index_cast %scan3A_405 : i32 to index
        %get3A_424 = arith.index_cast %mul3A_417 : i32 to index
        %get3A_425 = tpu.vector_load %arg10[%get3A_423, %get3A_424] {strides = array<i32>} : memref<10x80xf32, #tpu.memory_space<vmem>>, vector<1x16xf32>,
        %get3A_426 = vector.shape_cast %get3A_425 : vector<1x16xf32> to vector<16xf32>
        %mul3A_427 = arith.mulf %get3A_420, %get3A_426 : vector<16xf32>
        %get3A_428 = arith.index_cast %scan3A_405 : i32 to index
        %get3A_429 = arith.index_cast %mul3A_417 : i32 to index
        %get3A_430 = tpu.vector_load %arg11[%get3A_428, %get3A_429] {strides = array<i32>} : memref<10x80xf32, #tpu.memory_space<vmem>>, vector<1x16xf32>,
        %get3A_431 = vector.shape_cast %get3A_430 : vector<1x16xf32> to vector<16xf32>
        %mul3A_432 = arith.mulf %get3A_420, %get3A_431 : vector<16xf32>
        %select_n3A = arith.select %gt3A_422, %mul3A_427, %mul3A_432 : vector<16xi1>, vector<16xf32>
        %get3A_433 = arith.index_cast %scan3A_405 : i32 to index
        %get3A_434 = arith.index_cast %mul3A_417 : i32 to index
        %get3A_435 = tpu.vector_load %arg12[%get3A_433, %get3A_434] {strides = array<i32>} : memref<10x80xf32, #tpu.memory_space<vmem>>, vector<1x16xf32>,
        %get3A_436 = vector.shape_cast %get3A_435 : vector<1x16xf32> to vector<16xf32>
        %sub3A = arith.subf %select_n3A, %get3A_436 : vector<16xf32>
        %swap3A = arith.index_cast %scan3A_405 : i32 to index
        %swap3A_437 = arith.index_cast %mul3A_417 : i32 to index
        %swap3A_438 = tpu.vector_load %arg9[%swap3A, %swap3A_437] {strides = array<i32>} : memref<10x80xf32, #tpu.memory_space<vmem>>, vector<1x16xf32>,
        %swap3A_439 = vector.shape_cast %swap3A_438 : vector<1x16xf32> to vector<16xf32>
        %swap3A_440 = vector.shape_cast %sub3A : vector<16xf32> to vector<1x16xf32>
        tpu.vector_store %arg9[%swap3A, %swap3A_437], %swap3A_440 {strides = array<i32>} : memref<10x80xf32, #tpu.memory_space<vmem>>, vector<1x16xf32>,
        %scan3A_441 = arith.constant 0 : i32
        scf.yield %scan3A_441 : i32
      }
      %scan3A_413 = arith.constant 5 : i32
      scf.yield %scan3A_412 : i32
    }
    %scan3A_204 = arith.constant 10 : i32
    %dma_start3A_205 = arith.constant 0 : i32
    %dma_start3A_206 = arith.constant 0 : i32
    %dma_start3A_207 = arith.constant 0 : i32
    %dma_start3A_208 = tpu.memref_slice %arg9[%dma_start3A_205, %dma_start3A_207] : memref<10x80xf32, #tpu.memory_space<vmem>> -> memref<1x80xf32, #tpu.memory_space<vmem>>
    %dma_start3A_209 = tpu.memref_squeeze %dma_start3A_208 : memref<1x80xf32, #tpu.memory_space<vmem>> -> memref<80xf32, #tpu.memory_space<vmem>>
    %dma_start3A_210 = arith.constant 0 : i32
    %dma_start3A_211 = tpu.memref_slice %arg8[%dma_start3A_206, %dma_start3A_210] : memref<10x80xi32, #tpu.memory_space<vmem>> -> memref<1x80xi32, #tpu.memory_space<vmem>>
    %dma_start3A_212 = tpu.memref_squeeze %dma_start3A_211 : memref<1x80xi32, #tpu.memory_space<vmem>> -> memref<80xi32, #tpu.memory_space<vmem>>
    %dma_start3A_213 = arith.constant 0 : i32
    %dma_start3A_214 = tpu.memref_slice %arg2[%dma_start3A_213] : memref<12845056xf32, #tpu.memory_space<hbm>> -> memref<12845056xf32, #tpu.memory_space<hbm>>
    tpu.enqueue_indirect_dma source(%dma_start3A_209 : memref<80xf32, #tpu.memory_space<vmem>>) target(%dma_start3A_214 : memref<12845056xf32, #tpu.memory_space<hbm>>) offsets(%dma_start3A_212 : memref<80xi32, #tpu.memory_space<vmem>>) semaphore(%arg13 : memref<!tpu.dma_semaphore, #tpu.memory_space<semaphore_mem>>)
    %dma_wait3A_215 = arith.constant 0 : i32
    %dma_wait3A_216 = arith.constant 0 : i32
    %dma_wait3A_217 = arith.constant 0 : i32
    %dma_wait3A_218 = tpu.memref_slice %arg9[%dma_wait3A_215, %dma_wait3A_217] : memref<10x80xf32, #tpu.memory_space<vmem>> -> memref<1x80xf32, #tpu.memory_space<vmem>>
    %dma_wait3A_219 = tpu.memref_squeeze %dma_wait3A_218 : memref<1x80xf32, #tpu.memory_space<vmem>> -> memref<80xf32, #tpu.memory_space<vmem>>
    %dma_wait3A_220 = arith.constant 0 : i32
    %dma_wait3A_221 = tpu.memref_slice %arg8[%dma_wait3A_216, %dma_wait3A_220] : memref<10x80xi32, #tpu.memory_space<vmem>> -> memref<1x80xi32, #tpu.memory_space<vmem>>
    %dma_wait3A_222 = tpu.memref_squeeze %dma_wait3A_221 : memref<1x80xi32, #tpu.memory_space<vmem>> -> memref<80xi32, #tpu.memory_space<vmem>>
    %dma_wait3A_223 = arith.constant 0 : i32
    %dma_wait3A_224 = tpu.memref_slice %arg2[%dma_wait3A_223] : memref<12845056xf32, #tpu.memory_space<hbm>> -> memref<12845056xf32, #tpu.memory_space<hbm>>
    tpu.wait_indirect_dma semaphore(%arg13 : memref<!tpu.dma_semaphore, #tpu.memory_space<semaphore_mem>>) src(%dma_wait3A_219 : memref<80xf32, #tpu.memory_space<vmem>>) dst(%dma_wait3A_224 : memref<12845056xf32, #tpu.memory_space<hbm>>)
    %dma_start3A_225 = arith.constant 1 : i32
    %dma_start3A_226 = arith.constant 1 : i32
    %dma_start3A_227 = arith.constant 0 : i32
    %dma_start3A_228 = tpu.memref_slice %arg9[%dma_start3A_225, %dma_start3A_227] : memref<10x80xf32, #tpu.memory_space<vmem>> -> memref<1x80xf32, #tpu.memory_space<vmem>>
    %dma_start3A_229 = tpu.memref_squeeze %dma_start3A_228 : memref<1x80xf32, #tpu.memory_space<vmem>> -> memref<80xf32, #tpu.memory_space<vmem>>
    %dma_start3A_230 = arith.constant 0 : i32
    %dma_start3A_231 = tpu.memref_slice %arg8[%dma_start3A_226, %dma_start3A_230] : memref<10x80xi32, #tpu.memory_space<vmem>> -> memref<1x80xi32, #tpu.memory_space<vmem>>
    %dma_start3A_232 = tpu.memref_squeeze %dma_start3A_231 : memref<1x80xi32, #tpu.memory_space<vmem>> -> memref<80xi32, #tpu.memory_space<vmem>>
    %dma_start3A_233 = arith.constant 0 : i32
    %dma_start3A_234 = tpu.memref_slice %arg2[%dma_start3A_233] : memref<12845056xf32, #tpu.memory_space<hbm>> -> memref<12845056xf32, #tpu.memory_space<hbm>>
    tpu.enqueue_indirect_dma source(%dma_start3A_229 : memref<80xf32, #tpu.memory_space<vmem>>) target(%dma_start3A_234 : memref<12845056xf32, #tpu.memory_space<hbm>>) offsets(%dma_start3A_232 : memref<80xi32, #tpu.memory_space<vmem>>) semaphore(%arg13 : memref<!tpu.dma_semaphore, #tpu.memory_space<semaphore_mem>>)
    %dma_wait3A_235 = arith.constant 1 : i32
    %dma_wait3A_236 = arith.constant 1 : i32
    %dma_wait3A_237 = arith.constant 0 : i32
    %dma_wait3A_238 = tpu.memref_slice %arg9[%dma_wait3A_235, %dma_wait3A_237] : memref<10x80xf32, #tpu.memory_space<vmem>> -> memref<1x80xf32, #tpu.memory_space<vmem>>
    %dma_wait3A_239 = tpu.memref_squeeze %dma_wait3A_238 : memref<1x80xf32, #tpu.memory_space<vmem>> -> memref<80xf32, #tpu.memory_space<vmem>>
    %dma_wait3A_240 = arith.constant 0 : i32
    %dma_wait3A_241 = tpu.memref_slice %arg8[%dma_wait3A_236, %dma_wait3A_240] : memref<10x80xi32, #tpu.memory_space<vmem>> -> memref<1x80xi32, #tpu.memory_space<vmem>>
    %dma_wait3A_242 = tpu.memref_squeeze %dma_wait3A_241 : memref<1x80xi32, #tpu.memory_space<vmem>> -> memref<80xi32, #tpu.memory_space<vmem>>
    %dma_wait3A_243 = arith.constant 0 : i32
    %dma_wait3A_244 = tpu.memref_slice %arg2[%dma_wait3A_243] : memref<12845056xf32, #tpu.memory_space<hbm>> -> memref<12845056xf32, #tpu.memory_space<hbm>>
    tpu.wait_indirect_dma semaphore(%arg13 : memref<!tpu.dma_semaphore, #tpu.memory_space<semaphore_mem>>) src(%dma_wait3A_239 : memref<80xf32, #tpu.memory_space<vmem>>) dst(%dma_wait3A_244 : memref<12845056xf32, #tpu.memory_space<hbm>>)
    %dma_start3A_245 = arith.constant 2 : i32
    %dma_start3A_246 = arith.constant 2 : i32
    %dma_start3A_247 = arith.constant 0 : i32
    %dma_start3A_248 = tpu.memref_slice %arg9[%dma_start3A_245, %dma_start3A_247] : memref<10x80xf32, #tpu.memory_space<vmem>> -> memref<1x80xf32, #tpu.memory_space<vmem>>
    %dma_start3A_249 = tpu.memref_squeeze %dma_start3A_248 : memref<1x80xf32, #tpu.memory_space<vmem>> -> memref<80xf32, #tpu.memory_space<vmem>>
    %dma_start3A_250 = arith.constant 0 : i32
    %dma_start3A_251 = tpu.memref_slice %arg8[%dma_start3A_246, %dma_start3A_250] : memref<10x80xi32, #tpu.memory_space<vmem>> -> memref<1x80xi32, #tpu.memory_space<vmem>>
    %dma_start3A_252 = tpu.memref_squeeze %dma_start3A_251 : memref<1x80xi32, #tpu.memory_space<vmem>> -> memref<80xi32, #tpu.memory_space<vmem>>
    %dma_start3A_253 = arith.constant 0 : i32
    %dma_start3A_254 = tpu.memref_slice %arg2[%dma_start3A_253] : memref<12845056xf32, #tpu.memory_space<hbm>> -> memref<12845056xf32, #tpu.memory_space<hbm>>
    tpu.enqueue_indirect_dma source(%dma_start3A_249 : memref<80xf32, #tpu.memory_space<vmem>>) target(%dma_start3A_254 : memref<12845056xf32, #tpu.memory_space<hbm>>) offsets(%dma_start3A_252 : memref<80xi32, #tpu.memory_space<vmem>>) semaphore(%arg13 : memref<!tpu.dma_semaphore, #tpu.memory_space<semaphore_mem>>)
    %dma_wait3A_255 = arith.constant 2 : i32
    %dma_wait3A_256 = arith.constant 2 : i32
    %dma_wait3A_257 = arith.constant 0 : i32
    %dma_wait3A_258 = tpu.memref_slice %arg9[%dma_wait3A_255, %dma_wait3A_257] : memref<10x80xf32, #tpu.memory_space<vmem>> -> memref<1x80xf32, #tpu.memory_space<vmem>>
    %dma_wait3A_259 = tpu.memref_squeeze %dma_wait3A_258 : memref<1x80xf32, #tpu.memory_space<vmem>> -> memref<80xf32, #tpu.memory_space<vmem>>
    %dma_wait3A_260 = arith.constant 0 : i32
    %dma_wait3A_261 = tpu.memref_slice %arg8[%dma_wait3A_256, %dma_wait3A_260] : memref<10x80xi32, #tpu.memory_space<vmem>> -> memref<1x80xi32, #tpu.memory_space<vmem>>
    %dma_wait3A_262 = tpu.memref_squeeze %dma_wait3A_261 : memref<1x80xi32, #tpu.memory_space<vmem>> -> memref<80xi32, #tpu.memory_space<vmem>>
    %dma_wait3A_263 = arith.constant 0 : i32
    %dma_wait3A_264 = tpu.memref_slice %arg2[%dma_wait3A_263] : memref<12845056xf32, #tpu.memory_space<hbm>> -> memref<12845056xf32, #tpu.memory_space<hbm>>
    tpu.wait_indirect_dma semaphore(%arg13 : memref<!tpu.dma_semaphore, #tpu.memory_space<semaphore_mem>>) src(%dma_wait3A_259 : memref<80xf32, #tpu.memory_space<vmem>>) dst(%dma_wait3A_264 : memref<12845056xf32, #tpu.memory_space<hbm>>)
    %dma_start3A_265 = arith.constant 3 : i32
    %dma_start3A_266 = arith.constant 3 : i32
    %dma_start3A_267 = arith.constant 0 : i32
    %dma_start3A_268 = tpu.memref_slice %arg9[%dma_start3A_265, %dma_start3A_267] : memref<10x80xf32, #tpu.memory_space<vmem>> -> memref<1x80xf32, #tpu.memory_space<vmem>>
    %dma_start3A_269 = tpu.memref_squeeze %dma_start3A_268 : memref<1x80xf32, #tpu.memory_space<vmem>> -> memref<80xf32, #tpu.memory_space<vmem>>
    %dma_start3A_270 = arith.constant 0 : i32
    %dma_start3A_271 = tpu.memref_slice %arg8[%dma_start3A_266, %dma_start3A_270] : memref<10x80xi32, #tpu.memory_space<vmem>> -> memref<1x80xi32, #tpu.memory_space<vmem>>
    %dma_start3A_272 = tpu.memref_squeeze %dma_start3A_271 : memref<1x80xi32, #tpu.memory_space<vmem>> -> memref<80xi32, #tpu.memory_space<vmem>>
    %dma_start3A_273 = arith.constant 0 : i32
    %dma_start3A_274 = tpu.memref_slice %arg2[%dma_start3A_273] : memref<12845056xf32, #tpu.memory_space<hbm>> -> memref<12845056xf32, #tpu.memory_space<hbm>>
    tpu.enqueue_indirect_dma source(%dma_start3A_269 : memref<80xf32, #tpu.memory_space<vmem>>) target(%dma_start3A_274 : memref<12845056xf32, #tpu.memory_space<hbm>>) offsets(%dma_start3A_272 : memref<80xi32, #tpu.memory_space<vmem>>) semaphore(%arg13 : memref<!tpu.dma_semaphore, #tpu.memory_space<semaphore_mem>>)
    %dma_wait3A_275 = arith.constant 3 : i32
    %dma_wait3A_276 = arith.constant 3 : i32
    %dma_wait3A_277 = arith.constant 0 : i32
    %dma_wait3A_278 = tpu.memref_slice %arg9[%dma_wait3A_275, %dma_wait3A_277] : memref<10x80xf32, #tpu.memory_space<vmem>> -> memref<1x80xf32, #tpu.memory_space<vmem>>
    %dma_wait3A_279 = tpu.memref_squeeze %dma_wait3A_278 : memref<1x80xf32, #tpu.memory_space<vmem>> -> memref<80xf32, #tpu.memory_space<vmem>>
    %dma_wait3A_280 = arith.constant 0 : i32
    %dma_wait3A_281 = tpu.memref_slice %arg8[%dma_wait3A_276, %dma_wait3A_280] : memref<10x80xi32, #tpu.memory_space<vmem>> -> memref<1x80xi32, #tpu.memory_space<vmem>>
    %dma_wait3A_282 = tpu.memref_squeeze %dma_wait3A_281 : memref<1x80xi32, #tpu.memory_space<vmem>> -> memref<80xi32, #tpu.memory_space<vmem>>
    %dma_wait3A_283 = arith.constant 0 : i32
    %dma_wait3A_284 = tpu.memref_slice %arg2[%dma_wait3A_283] : memref<12845056xf32, #tpu.memory_space<hbm>> -> memref<12845056xf32, #tpu.memory_space<hbm>>
    tpu.wait_indirect_dma semaphore(%arg13 : memref<!tpu.dma_semaphore, #tpu.memory_space<semaphore_mem>>) src(%dma_wait3A_279 : memref<80xf32, #tpu.memory_space<vmem>>) dst(%dma_wait3A_284 : memref<12845056xf32, #tpu.memory_space<hbm>>)
    %dma_start3A_285 = arith.constant 4 : i32
    %dma_start3A_286 = arith.constant 4 : i32
    %dma_start3A_287 = arith.constant 0 : i32
    %dma_start3A_288 = tpu.memref_slice %arg9[%dma_start3A_285, %dma_start3A_287] : memref<10x80xf32, #tpu.memory_space<vmem>> -> memref<1x80xf32, #tpu.memory_space<vmem>>
    %dma_start3A_289 = tpu.memref_squeeze %dma_start3A_288 : memref<1x80xf32, #tpu.memory_space<vmem>> -> memref<80xf32, #tpu.memory_space<vmem>>
    %dma_start3A_290 = arith.constant 0 : i32
    %dma_start3A_291 = tpu.memref_slice %arg8[%dma_start3A_286, %dma_start3A_290] : memref<10x80xi32, #tpu.memory_space<vmem>> -> memref<1x80xi32, #tpu.memory_space<vmem>>
    %dma_start3A_292 = tpu.memref_squeeze %dma_start3A_291 : memref<1x80xi32, #tpu.memory_space<vmem>> -> memref<80xi32, #tpu.memory_space<vmem>>
    %dma_start3A_293 = arith.constant 0 : i32
    %dma_start3A_294 = tpu.memref_slice %arg2[%dma_start3A_293] : memref<12845056xf32, #tpu.memory_space<hbm>> -> memref<12845056xf32, #tpu.memory_space<hbm>>
    tpu.enqueue_indirect_dma source(%dma_start3A_289 : memref<80xf32, #tpu.memory_space<vmem>>) target(%dma_start3A_294 : memref<12845056xf32, #tpu.memory_space<hbm>>) offsets(%dma_start3A_292 : memref<80xi32, #tpu.memory_space<vmem>>) semaphore(%arg13 : memref<!tpu.dma_semaphore, #tpu.memory_space<semaphore_mem>>)
    %dma_wait3A_295 = arith.constant 4 : i32
    %dma_wait3A_296 = arith.constant 4 : i32
    %dma_wait3A_297 = arith.constant 0 : i32
    %dma_wait3A_298 = tpu.memref_slice %arg9[%dma_wait3A_295, %dma_wait3A_297] : memref<10x80xf32, #tpu.memory_space<vmem>> -> memref<1x80xf32, #tpu.memory_space<vmem>>
    %dma_wait3A_299 = tpu.memref_squeeze %dma_wait3A_298 : memref<1x80xf32, #tpu.memory_space<vmem>> -> memref<80xf32, #tpu.memory_space<vmem>>
    %dma_wait3A_300 = arith.constant 0 : i32
    %dma_wait3A_301 = tpu.memref_slice %arg8[%dma_wait3A_296, %dma_wait3A_300] : memref<10x80xi32, #tpu.memory_space<vmem>> -> memref<1x80xi32, #tpu.memory_space<vmem>>
    %dma_wait3A_302 = tpu.memref_squeeze %dma_wait3A_301 : memref<1x80xi32, #tpu.memory_space<vmem>> -> memref<80xi32, #tpu.memory_space<vmem>>
    %dma_wait3A_303 = arith.constant 0 : i32
    %dma_wait3A_304 = tpu.memref_slice %arg2[%dma_wait3A_303] : memref<12845056xf32, #tpu.memory_space<hbm>> -> memref<12845056xf32, #tpu.memory_space<hbm>>
    tpu.wait_indirect_dma semaphore(%arg13 : memref<!tpu.dma_semaphore, #tpu.memory_space<semaphore_mem>>) src(%dma_wait3A_299 : memref<80xf32, #tpu.memory_space<vmem>>) dst(%dma_wait3A_304 : memref<12845056xf32, #tpu.memory_space<hbm>>)
    %dma_start3A_305 = arith.constant 5 : i32
    %dma_start3A_306 = arith.constant 5 : i32
    %dma_start3A_307 = arith.constant 0 : i32
    %dma_start3A_308 = tpu.memref_slice %arg9[%dma_start3A_305, %dma_start3A_307] : memref<10x80xf32, #tpu.memory_space<vmem>> -> memref<1x80xf32, #tpu.memory_space<vmem>>
    %dma_start3A_309 = tpu.memref_squeeze %dma_start3A_308 : memref<1x80xf32, #tpu.memory_space<vmem>> -> memref<80xf32, #tpu.memory_space<vmem>>
    %dma_start3A_310 = arith.constant 0 : i32
    %dma_start3A_311 = tpu.memref_slice %arg8[%dma_start3A_306, %dma_start3A_310] : memref<10x80xi32, #tpu.memory_space<vmem>> -> memref<1x80xi32, #tpu.memory_space<vmem>>
    %dma_start3A_312 = tpu.memref_squeeze %dma_start3A_311 : memref<1x80xi32, #tpu.memory_space<vmem>> -> memref<80xi32, #tpu.memory_space<vmem>>
    %dma_start3A_313 = arith.constant 0 : i32
    %dma_start3A_314 = tpu.memref_slice %arg2[%dma_start3A_313] : memref<12845056xf32, #tpu.memory_space<hbm>> -> memref<12845056xf32, #tpu.memory_space<hbm>>
    tpu.enqueue_indirect_dma source(%dma_start3A_309 : memref<80xf32, #tpu.memory_space<vmem>>) target(%dma_start3A_314 : memref<12845056xf32, #tpu.memory_space<hbm>>) offsets(%dma_start3A_312 : memref<80xi32, #tpu.memory_space<vmem>>) semaphore(%arg13 : memref<!tpu.dma_semaphore, #tpu.memory_space<semaphore_mem>>)
    %dma_wait3A_315 = arith.constant 5 : i32
    %dma_wait3A_316 = arith.constant 5 : i32
    %dma_wait3A_317 = arith.constant 0 : i32
    %dma_wait3A_318 = tpu.memref_slice %arg9[%dma_wait3A_315, %dma_wait3A_317] : memref<10x80xf32, #tpu.memory_space<vmem>> -> memref<1x80xf32, #tpu.memory_space<vmem>>
    %dma_wait3A_319 = tpu.memref_squeeze %dma_wait3A_318 : memref<1x80xf32, #tpu.memory_space<vmem>> -> memref<80xf32, #tpu.memory_space<vmem>>
    %dma_wait3A_320 = arith.constant 0 : i32
    %dma_wait3A_321 = tpu.memref_slice %arg8[%dma_wait3A_316, %dma_wait3A_320] : memref<10x80xi32, #tpu.memory_space<vmem>> -> memref<1x80xi32, #tpu.memory_space<vmem>>
    %dma_wait3A_322 = tpu.memref_squeeze %dma_wait3A_321 : memref<1x80xi32, #tpu.memory_space<vmem>> -> memref<80xi32, #tpu.memory_space<vmem>>
    %dma_wait3A_323 = arith.constant 0 : i32
    %dma_wait3A_324 = tpu.memref_slice %arg2[%dma_wait3A_323] : memref<12845056xf32, #tpu.memory_space<hbm>> -> memref<12845056xf32, #tpu.memory_space<hbm>>
    tpu.wait_indirect_dma semaphore(%arg13 : memref<!tpu.dma_semaphore, #tpu.memory_space<semaphore_mem>>) src(%dma_wait3A_319 : memref<80xf32, #tpu.memory_space<vmem>>) dst(%dma_wait3A_324 : memref<12845056xf32, #tpu.memory_space<hbm>>)
    %dma_start3A_325 = arith.constant 6 : i32
    %dma_start3A_326 = arith.constant 6 : i32
    %dma_start3A_327 = arith.constant 0 : i32
    %dma_start3A_328 = tpu.memref_slice %arg9[%dma_start3A_325, %dma_start3A_327] : memref<10x80xf32, #tpu.memory_space<vmem>> -> memref<1x80xf32, #tpu.memory_space<vmem>>
    %dma_start3A_329 = tpu.memref_squeeze %dma_start3A_328 : memref<1x80xf32, #tpu.memory_space<vmem>> -> memref<80xf32, #tpu.memory_space<vmem>>
    %dma_start3A_330 = arith.constant 0 : i32
    %dma_start3A_331 = tpu.memref_slice %arg8[%dma_start3A_326, %dma_start3A_330] : memref<10x80xi32, #tpu.memory_space<vmem>> -> memref<1x80xi32, #tpu.memory_space<vmem>>
    %dma_start3A_332 = tpu.memref_squeeze %dma_start3A_331 : memref<1x80xi32, #tpu.memory_space<vmem>> -> memref<80xi32, #tpu.memory_space<vmem>>
    %dma_start3A_333 = arith.constant 0 : i32
    %dma_start3A_334 = tpu.memref_slice %arg2[%dma_start3A_333] : memref<12845056xf32, #tpu.memory_space<hbm>> -> memref<12845056xf32, #tpu.memory_space<hbm>>
    tpu.enqueue_indirect_dma source(%dma_start3A_329 : memref<80xf32, #tpu.memory_space<vmem>>) target(%dma_start3A_334 : memref<12845056xf32, #tpu.memory_space<hbm>>) offsets(%dma_start3A_332 : memref<80xi32, #tpu.memory_space<vmem>>) semaphore(%arg13 : memref<!tpu.dma_semaphore, #tpu.memory_space<semaphore_mem>>)
    %dma_wait3A_335 = arith.constant 6 : i32
    %dma_wait3A_336 = arith.constant 6 : i32
    %dma_wait3A_337 = arith.constant 0 : i32
    %dma_wait3A_338 = tpu.memref_slice %arg9[%dma_wait3A_335, %dma_wait3A_337] : memref<10x80xf32, #tpu.memory_space<vmem>> -> memref<1x80xf32, #tpu.memory_space<vmem>>
    %dma_wait3A_339 = tpu.memref_squeeze %dma_wait3A_338 : memref<1x80xf32, #tpu.memory_space<vmem>> -> memref<80xf32, #tpu.memory_space<vmem>>
    %dma_wait3A_340 = arith.constant 0 : i32
    %dma_wait3A_341 = tpu.memref_slice %arg8[%dma_wait3A_336, %dma_wait3A_340] : memref<10x80xi32, #tpu.memory_space<vmem>> -> memref<1x80xi32, #tpu.memory_space<vmem>>
    %dma_wait3A_342 = tpu.memref_squeeze %dma_wait3A_341 : memref<1x80xi32, #tpu.memory_space<vmem>> -> memref<80xi32, #tpu.memory_space<vmem>>
    %dma_wait3A_343 = arith.constant 0 : i32
    %dma_wait3A_344 = tpu.memref_slice %arg2[%dma_wait3A_343] : memref<12845056xf32, #tpu.memory_space<hbm>> -> memref<12845056xf32, #tpu.memory_space<hbm>>
    tpu.wait_indirect_dma semaphore(%arg13 : memref<!tpu.dma_semaphore, #tpu.memory_space<semaphore_mem>>) src(%dma_wait3A_339 : memref<80xf32, #tpu.memory_space<vmem>>) dst(%dma_wait3A_344 : memref<12845056xf32, #tpu.memory_space<hbm>>)
    %dma_start3A_345 = arith.constant 7 : i32
    %dma_start3A_346 = arith.constant 7 : i32
    %dma_start3A_347 = arith.constant 0 : i32
    %dma_start3A_348 = tpu.memref_slice %arg9[%dma_start3A_345, %dma_start3A_347] : memref<10x80xf32, #tpu.memory_space<vmem>> -> memref<1x80xf32, #tpu.memory_space<vmem>>
    %dma_start3A_349 = tpu.memref_squeeze %dma_start3A_348 : memref<1x80xf32, #tpu.memory_space<vmem>> -> memref<80xf32, #tpu.memory_space<vmem>>
    %dma_start3A_350 = arith.constant 0 : i32
    %dma_start3A_351 = tpu.memref_slice %arg8[%dma_start3A_346, %dma_start3A_350] : memref<10x80xi32, #tpu.memory_space<vmem>> -> memref<1x80xi32, #tpu.memory_space<vmem>>
    %dma_start3A_352 = tpu.memref_squeeze %dma_start3A_351 : memref<1x80xi32, #tpu.memory_space<vmem>> -> memref<80xi32, #tpu.memory_space<vmem>>
    %dma_start3A_353 = arith.constant 0 : i32
    %dma_start3A_354 = tpu.memref_slice %arg2[%dma_start3A_353] : memref<12845056xf32, #tpu.memory_space<hbm>> -> memref<12845056xf32, #tpu.memory_space<hbm>>
    tpu.enqueue_indirect_dma source(%dma_start3A_349 : memref<80xf32, #tpu.memory_space<vmem>>) target(%dma_start3A_354 : memref<12845056xf32, #tpu.memory_space<hbm>>) offsets(%dma_start3A_352 : memref<80xi32, #tpu.memory_space<vmem>>) semaphore(%arg13 : memref<!tpu.dma_semaphore, #tpu.memory_space<semaphore_mem>>)
    %dma_wait3A_355 = arith.constant 7 : i32
    %dma_wait3A_356 = arith.constant 7 : i32
    %dma_wait3A_357 = arith.constant 0 : i32
    %dma_wait3A_358 = tpu.memref_slice %arg9[%dma_wait3A_355, %dma_wait3A_357] : memref<10x80xf32, #tpu.memory_space<vmem>> -> memref<1x80xf32, #tpu.memory_space<vmem>>
    %dma_wait3A_359 = tpu.memref_squeeze %dma_wait3A_358 : memref<1x80xf32, #tpu.memory_space<vmem>> -> memref<80xf32, #tpu.memory_space<vmem>>
    %dma_wait3A_360 = arith.constant 0 : i32
    %dma_wait3A_361 = tpu.memref_slice %arg8[%dma_wait3A_356, %dma_wait3A_360] : memref<10x80xi32, #tpu.memory_space<vmem>> -> memref<1x80xi32, #tpu.memory_space<vmem>>
    %dma_wait3A_362 = tpu.memref_squeeze %dma_wait3A_361 : memref<1x80xi32, #tpu.memory_space<vmem>> -> memref<80xi32, #tpu.memory_space<vmem>>
    %dma_wait3A_363 = arith.constant 0 : i32
    %dma_wait3A_364 = tpu.memref_slice %arg2[%dma_wait3A_363] : memref<12845056xf32, #tpu.memory_space<hbm>> -> memref<12845056xf32, #tpu.memory_space<hbm>>
    tpu.wait_indirect_dma semaphore(%arg13 : memref<!tpu.dma_semaphore, #tpu.memory_space<semaphore_mem>>) src(%dma_wait3A_359 : memref<80xf32, #tpu.memory_space<vmem>>) dst(%dma_wait3A_364 : memref<12845056xf32, #tpu.memory_space<hbm>>)
    %dma_start3A_365 = arith.constant 8 : i32
    %dma_start3A_366 = arith.constant 8 : i32
    %dma_start3A_367 = arith.constant 0 : i32
    %dma_start3A_368 = tpu.memref_slice %arg9[%dma_start3A_365, %dma_start3A_367] : memref<10x80xf32, #tpu.memory_space<vmem>> -> memref<1x80xf32, #tpu.memory_space<vmem>>
    %dma_start3A_369 = tpu.memref_squeeze %dma_start3A_368 : memref<1x80xf32, #tpu.memory_space<vmem>> -> memref<80xf32, #tpu.memory_space<vmem>>
    %dma_start3A_370 = arith.constant 0 : i32
    %dma_start3A_371 = tpu.memref_slice %arg8[%dma_start3A_366, %dma_start3A_370] : memref<10x80xi32, #tpu.memory_space<vmem>> -> memref<1x80xi32, #tpu.memory_space<vmem>>
    %dma_start3A_372 = tpu.memref_squeeze %dma_start3A_371 : memref<1x80xi32, #tpu.memory_space<vmem>> -> memref<80xi32, #tpu.memory_space<vmem>>
    %dma_start3A_373 = arith.constant 0 : i32
    %dma_start3A_374 = tpu.memref_slice %arg2[%dma_start3A_373] : memref<12845056xf32, #tpu.memory_space<hbm>> -> memref<12845056xf32, #tpu.memory_space<hbm>>
    tpu.enqueue_indirect_dma source(%dma_start3A_369 : memref<80xf32, #tpu.memory_space<vmem>>) target(%dma_start3A_374 : memref<12845056xf32, #tpu.memory_space<hbm>>) offsets(%dma_start3A_372 : memref<80xi32, #tpu.memory_space<vmem>>) semaphore(%arg13 : memref<!tpu.dma_semaphore, #tpu.memory_space<semaphore_mem>>)
    %dma_wait3A_375 = arith.constant 8 : i32
    %dma_wait3A_376 = arith.constant 8 : i32
    %dma_wait3A_377 = arith.constant 0 : i32
    %dma_wait3A_378 = tpu.memref_slice %arg9[%dma_wait3A_375, %dma_wait3A_377] : memref<10x80xf32, #tpu.memory_space<vmem>> -> memref<1x80xf32, #tpu.memory_space<vmem>>
    %dma_wait3A_379 = tpu.memref_squeeze %dma_wait3A_378 : memref<1x80xf32, #tpu.memory_space<vmem>> -> memref<80xf32, #tpu.memory_space<vmem>>
    %dma_wait3A_380 = arith.constant 0 : i32
    %dma_wait3A_381 = tpu.memref_slice %arg8[%dma_wait3A_376, %dma_wait3A_380] : memref<10x80xi32, #tpu.memory_space<vmem>> -> memref<1x80xi32, #tpu.memory_space<vmem>>
    %dma_wait3A_382 = tpu.memref_squeeze %dma_wait3A_381 : memref<1x80xi32, #tpu.memory_space<vmem>> -> memref<80xi32, #tpu.memory_space<vmem>>
    %dma_wait3A_383 = arith.constant 0 : i32
    %dma_wait3A_384 = tpu.memref_slice %arg2[%dma_wait3A_383] : memref<12845056xf32, #tpu.memory_space<hbm>> -> memref<12845056xf32, #tpu.memory_space<hbm>>
    tpu.wait_indirect_dma semaphore(%arg13 : memref<!tpu.dma_semaphore, #tpu.memory_space<semaphore_mem>>) src(%dma_wait3A_379 : memref<80xf32, #tpu.memory_space<vmem>>) dst(%dma_wait3A_384 : memref<12845056xf32, #tpu.memory_space<hbm>>)
    %dma_start3A_385 = arith.constant 9 : i32
    %dma_start3A_386 = arith.constant 9 : i32
    %dma_start3A_387 = arith.constant 0 : i32
    %dma_start3A_388 = tpu.memref_slice %arg9[%dma_start3A_385, %dma_start3A_387] : memref<10x80xf32, #tpu.memory_space<vmem>> -> memref<1x80xf32, #tpu.memory_space<vmem>>
    %dma_start3A_389 = tpu.memref_squeeze %dma_start3A_388 : memref<1x80xf32, #tpu.memory_space<vmem>> -> memref<80xf32, #tpu.memory_space<vmem>>
    %dma_start3A_390 = arith.constant 0 : i32
    %dma_start3A_391 = tpu.memref_slice %arg8[%dma_start3A_386, %dma_start3A_390] : memref<10x80xi32, #tpu.memory_space<vmem>> -> memref<1x80xi32, #tpu.memory_space<vmem>>
    %dma_start3A_392 = tpu.memref_squeeze %dma_start3A_391 : memref<1x80xi32, #tpu.memory_space<vmem>> -> memref<80xi32, #tpu.memory_space<vmem>>
    %dma_start3A_393 = arith.constant 0 : i32
    %dma_start3A_394 = tpu.memref_slice %arg2[%dma_start3A_393] : memref<12845056xf32, #tpu.memory_space<hbm>> -> memref<12845056xf32, #tpu.memory_space<hbm>>
    tpu.enqueue_indirect_dma source(%dma_start3A_389 : memref<80xf32, #tpu.memory_space<vmem>>) target(%dma_start3A_394 : memref<12845056xf32, #tpu.memory_space<hbm>>) offsets(%dma_start3A_392 : memref<80xi32, #tpu.memory_space<vmem>>) semaphore(%arg13 : memref<!tpu.dma_semaphore, #tpu.memory_space<semaphore_mem>>)
    %dma_wait3A_395 = arith.constant 9 : i32
    %dma_wait3A_396 = arith.constant 9 : i32
    %dma_wait3A_397 = arith.constant 0 : i32
    %dma_wait3A_398 = tpu.memref_slice %arg9[%dma_wait3A_395, %dma_wait3A_397] : memref<10x80xf32, #tpu.memory_space<vmem>> -> memref<1x80xf32, #tpu.memory_space<vmem>>
    %dma_wait3A_399 = tpu.memref_squeeze %dma_wait3A_398 : memref<1x80xf32, #tpu.memory_space<vmem>> -> memref<80xf32, #tpu.memory_space<vmem>>
    %dma_wait3A_400 = arith.constant 0 : i32
    %dma_wait3A_401 = tpu.memref_slice %arg8[%dma_wait3A_396, %dma_wait3A_400] : memref<10x80xi32, #tpu.memory_space<vmem>> -> memref<1x80xi32, #tpu.memory_space<vmem>>
    %dma_wait3A_402 = tpu.memref_squeeze %dma_wait3A_401 : memref<1x80xi32, #tpu.memory_space<vmem>> -> memref<80xi32, #tpu.memory_space<vmem>>
    %dma_wait3A_403 = arith.constant 0 : i32
    %dma_wait3A_404 = tpu.memref_slice %arg2[%dma_wait3A_403] : memref<12845056xf32, #tpu.memory_space<hbm>> -> memref<12845056xf32, #tpu.memory_space<hbm>>
    tpu.wait_indirect_dma semaphore(%arg13 : memref<!tpu.dma_semaphore, #tpu.memory_space<semaphore_mem>>) src(%dma_wait3A_399 : memref<80xf32, #tpu.memory_space<vmem>>) dst(%dma_wait3A_404 : memref<12845056xf32, #tpu.memory_space<hbm>>)
    return
  }
}

module attributes {stable_mosaic.version = 14 : i64} {
  func.func @_matmul_body(%arg0: i32, %arg1: memref<128x1024xf32, #tpu.memory_space<vmem>>, %arg2: memref<2048x1024xf32, #tpu.memory_space<vmem>>, %arg3: memref<1x2048xf32, #tpu.memory_space<vmem>>, %arg4: memref<128x1xf32, #tpu.memory_space<vmem>>, %arg5: memref<128x2048xf32, #tpu.memory_space<vmem>>) attributes {dimension_semantics = [#tpu.dimension_semantics<arbitrary>], iteration_bounds = array<i64: 49>, scalar_prefetch = 0 : i64, scratch_operands = 0 : i64, tpu.core_type = #tpu.core_type<tc>, window_params = [{pipeline_mode = #tpu.pipeline_mode<synchronous>, transform_indices = @transform_0, window_bounds = array<i64: 128, 1024>}, {transform_indices = @transform_1, window_bounds = array<i64: 2048, 1024>}, {transform_indices = @transform_2, window_bounds = array<i64: 1, 2048>}, {pipeline_mode = #tpu.pipeline_mode<synchronous>, transform_indices = @transform_3, window_bounds = array<i64: 128, 1>}, {transform_indices = @transform_4, window_bounds = array<i64: 128, 2048>}]} {
    %get3A = arith.constant 0 : index
    %get3A_0 = arith.constant 0 : index
    %get3A_1 = vector.load %arg1[%get3A, %get3A_0] : memref<128x1024xf32, #tpu.memory_space<vmem>>, vector<128x1024xf32>
    %get3A_2 = arith.constant 0 : index
    %get3A_3 = arith.constant 0 : index
    %get3A_4 = vector.load %arg2[%get3A_2, %get3A_3] : memref<2048x1024xf32, #tpu.memory_space<vmem>>, vector<2048x1024xf32>
    %dot_general3A = arith.constant dense<0.000000e+00> : vector<128x2048xf32>
    %dot_general3A_5 = tpu.matmul %get3A_1, %get3A_4, %dot_general3A {dimension_numbers = #tpu.dot_dimension_numbers<[1], [1], [0], [0], [0, 0, 1, 0], [], []>, transpose_lhs_hint = false} : vector<128x1024xf32>, vector<2048x1024xf32>, vector<128x2048xf32> -> vector<128x2048xf32>
    %get3A_6 = arith.constant 0 : index
    %get3A_7 = arith.constant 0 : index
    %get3A_8 = vector.load %arg3[%get3A_6, %get3A_7] : memref<1x2048xf32, #tpu.memory_space<vmem>>, vector<1x2048xf32>
    %add3A = vector.broadcast %get3A_8 : vector<1x2048xf32> to vector<128x2048xf32>
    %add3A_9 = arith.addf %dot_general3A_5, %add3A : vector<128x2048xf32>
    %get3A_10 = arith.constant 0 : index
    %get3A_11 = arith.constant 0 : index
    %get3A_12 = vector.load %arg4[%get3A_10, %get3A_11] : memref<128x1xf32, #tpu.memory_space<vmem>>, vector<128x1xf32>
    %mul3A = vector.broadcast %get3A_12 : vector<128x1xf32> to vector<128x2048xf32>
    %mul3A_13 = arith.mulf %add3A_9, %mul3A : vector<128x2048xf32>
    %iota3A = tpu.iota {dimensions = array<i32: 1>} : vector<128x2048xi32>
    %mul3A_14 = arith.constant 2048 : i32
    %mul3A_15 = arith.muli %arg0, %mul3A_14 : i32
    %add3A_16 = vector.broadcast %mul3A_15 : i32 to vector<128x2048xi32>
    %add3A_17 = arith.addi %iota3A, %add3A_16 : vector<128x2048xi32>
    %lt3A = arith.constant 100000 : i32
    %lt3A_18 = vector.broadcast %lt3A : i32 to vector<128x2048xi32>
    %lt3A_19 = arith.cmpi slt, %add3A_17, %lt3A_18 : vector<128x2048xi32>
    %jit3A = arith.constant -1.000000e+09 : f32
    %broadcast_in_dim3A = vector.broadcast %jit3A : f32 to vector<128x2048xf32>
    %select_n3A = arith.select %lt3A_19, %mul3A_13, %broadcast_in_dim3A : vector<128x2048xi1>, vector<128x2048xf32>
    %swap3A = arith.constant 0 : index
    %swap3A_20 = arith.constant 0 : index
    %swap3A_21 = vector.load %arg5[%swap3A, %swap3A_20] : memref<128x2048xf32, #tpu.memory_space<vmem>>, vector<128x2048xf32>
    tpu.vector_store %arg5[%swap3A, %swap3A_20], %select_n3A {strides = array<i32>} : memref<128x2048xf32, #tpu.memory_space<vmem>>, vector<128x2048xf32>,
    return
  }
  func.func @transform_0(%arg0: i32) -> (i32, i32) {
    %c0_i32 = arith.constant 0 : i32
    %c0_i32_0 = arith.constant 0 : i32
    %c0_i32_1 = arith.constant 0 : i32
    return %c0_i32, %c0_i32_0 : i32, i32
  }
  func.func @transform_1(%arg0: i32) -> (i32, i32) {
    %c0_i32 = arith.constant 0 : i32
    %c0_i32_0 = arith.constant 0 : i32
    return %arg0, %c0_i32 : i32, i32
  }
  func.func @transform_2(%arg0: i32) -> (i32, i32) {
    %c0_i32 = arith.constant 0 : i32
    %c0_i32_0 = arith.constant 0 : i32
    return %c0_i32, %arg0 : i32, i32
  }
  func.func @transform_3(%arg0: i32) -> (i32, i32) {
    %c0_i32 = arith.constant 0 : i32
    %c0_i32_0 = arith.constant 0 : i32
    %c0_i32_1 = arith.constant 0 : i32
    return %c0_i32, %c0_i32_0 : i32, i32
  }
  func.func @transform_4(%arg0: i32) -> (i32, i32) {
    %c0_i32 = arith.constant 0 : i32
    %c0_i32_0 = arith.constant 0 : i32
    return %c0_i32, %arg0 : i32, i32
  }
}

module attributes {stable_mosaic.version = 14 : i64} {
  func.func @_stats_body(%arg0: i32, %arg1: i32, %arg2: memref<128x2048xf32, #tpu.memory_space<vmem>>, %arg3: memref<128x1xf32, #tpu.memory_space<vmem>>, %arg4: memref<128x1xf32, #tpu.memory_space<vmem>>, %arg5: memref<128x1xf32, #tpu.memory_space<vmem>>, %arg6: memref<128x1xf32, #tpu.memory_space<vmem>>, %arg7: memref<128x1xi32, #tpu.memory_space<vmem>>, %arg8: memref<128x1xf32, #tpu.memory_space<vmem>>, %arg9: memref<128x1xf32, #tpu.memory_space<vmem>>, %arg10: memref<128x1xf32, #tpu.memory_space<vmem>>, %arg11: memref<128x1xi32, #tpu.memory_space<vmem>>, %arg12: memref<128x1xi32, #tpu.memory_space<vmem>>, %arg13: memref<128x1xi32, #tpu.memory_space<vmem>>, %arg14: memref<128x1xi32, #tpu.memory_space<vmem>>, %arg15: memref<128x1xi32, #tpu.memory_space<vmem>>, %arg16: memref<128x1xf32, #tpu.memory_space<vmem>>, %arg17: memref<128x1xf32, #tpu.memory_space<vmem>>, %arg18: memref<128x1xf32, #tpu.memory_space<vmem>>, %arg19: memref<128x1xf32, #tpu.memory_space<vmem>>, %arg20: memref<128x1xf32, #tpu.memory_space<vmem>>, %arg21: memref<128x1xf32, #tpu.memory_space<vmem>>, %arg22: memref<128x1xf32, #tpu.memory_space<vmem>>, %arg23: memref<128x1xf32, #tpu.memory_space<vmem>>, %arg24: memref<128x1xf32, #tpu.memory_space<vmem>>, %arg25: memref<128x1xf32, #tpu.memory_space<vmem>>) attributes {dimension_semantics = [#tpu.dimension_semantics<arbitrary>, #tpu.dimension_semantics<arbitrary>], iteration_bounds = array<i64: 21, 49>, scalar_prefetch = 0 : i64, scratch_operands = 15 : i64, tpu.core_type = #tpu.core_type<tc>, window_params = [{transform_indices = @transform_0, window_bounds = array<i64: 128, 2048>}, {pipeline_mode = #tpu.pipeline_mode<synchronous>, transform_indices = @transform_1, window_bounds = array<i64: 128, 1>}, {pipeline_mode = #tpu.pipeline_mode<synchronous>, transform_indices = @transform_2, window_bounds = array<i64: 128, 1>}, {pipeline_mode = #tpu.pipeline_mode<synchronous>, transform_indices = @transform_3, window_bounds = array<i64: 128, 1>}, {pipeline_mode = #tpu.pipeline_mode<synchronous>, transform_indices = @transform_4, window_bounds = array<i64: 128, 1>}, {pipeline_mode = #tpu.pipeline_mode<synchronous>, transform_indices = @transform_5, window_bounds = array<i64: 128, 1>}, {pipeline_mode = #tpu.pipeline_mode<synchronous>, transform_indices = @transform_6, window_bounds = array<i64: 128, 1>}, {pipeline_mode = #tpu.pipeline_mode<synchronous>, transform_indices = @transform_7, window_bounds = array<i64: 128, 1>}, {pipeline_mode = #tpu.pipeline_mode<synchronous>, transform_indices = @transform_8, window_bounds = array<i64: 128, 1>}]} {
    %get3A = arith.constant 0 : index
    %get3A_0 = arith.constant 0 : index
    %get3A_1 = vector.load %arg2[%get3A, %get3A_0] : memref<128x2048xf32, #tpu.memory_space<vmem>>, vector<128x2048xf32>
    %eq3A = arith.constant 0 : i32
    %eq3A_2 = arith.cmpi eq, %arg0, %eq3A : i32
    %convert_element_type3A = arith.extui %eq3A_2 : i1 to i32
    %cond3A = arith.constant 0 : i32
    %cond3A_3 = arith.cmpi ne, %convert_element_type3A, %cond3A : i32
    scf.if %cond3A_3 {
      %reduce_max3A = arith.constant dense<0xFF800000> : vector<128xf32>
      %reduce_max3A_27 = vector.multi_reduction <maximumf>, %get3A_1, %reduce_max3A [1] : vector<128x2048xf32> to vector<128xf32>
      %broadcast_in_dim3A = vector.shape_cast %reduce_max3A_27 : vector<128xf32> to vector<128x1xf32>
      %iota3A = tpu.iota {dimensions = array<i32: 1>} : vector<128x2048xi32>
      %mul3A = arith.constant 2048 : i32
      %mul3A_28 = arith.muli %arg1, %mul3A : i32
      %add3A = vector.broadcast %mul3A_28 : i32 to vector<128x2048xi32>
      %add3A_29 = arith.addi %iota3A, %add3A : vector<128x2048xi32>
      %eq3A_30 = vector.broadcast %broadcast_in_dim3A : vector<128x1xf32> to vector<128x2048xf32>
      %eq3A_31 = arith.cmpf oeq, %get3A_1, %eq3A_30 : vector<128x2048xf32>
      %jit3A = arith.constant 1073741824 : i32
      %broadcast_in_dim3A_32 = vector.broadcast %jit3A : i32 to vector<128x2048xi32>
      %select_n3A = arith.select %eq3A_31, %add3A_29, %broadcast_in_dim3A_32 : vector<128x2048xi1>, vector<128x2048xi32>
      %reduce_min3A = arith.constant dense<2147483647> : vector<128xi32>
      %reduce_min3A_33 = vector.multi_reduction <minsi>, %select_n3A, %reduce_min3A [1] : vector<128x2048xi32> to vector<128xi32>
      %broadcast_in_dim3A_34 = vector.shape_cast %reduce_min3A_33 : vector<128xi32> to vector<128x1xi32>
      %eq3A_35 = arith.constant 0 : i32
      %eq3A_36 = arith.cmpi eq, %arg1, %eq3A_35 : i32
      %convert_element_type3A_37 = arith.extui %eq3A_36 : i1 to i32
      %cond3A_38 = arith.constant 0 : i32
      %cond3A_39 = arith.cmpi ne, %convert_element_type3A_37, %cond3A_38 : i32
      scf.if %cond3A_39 {
        %swap3A = arith.constant 0 : index
        %swap3A_44 = arith.constant 0 : index
        %swap3A_45 = vector.load %arg6[%swap3A, %swap3A_44] : memref<128x1xf32, #tpu.memory_space<vmem>>, vector<128x1xf32>
        tpu.vector_store %arg6[%swap3A, %swap3A_44], %broadcast_in_dim3A {strides = array<i32>} : memref<128x1xf32, #tpu.memory_space<vmem>>, vector<128x1xf32>,
        %swap3A_46 = arith.constant 0 : index
        %swap3A_47 = arith.constant 0 : index
        %swap3A_48 = vector.load %arg7[%swap3A_46, %swap3A_47] : memref<128x1xi32, #tpu.memory_space<vmem>>, vector<128x1xi32>
        tpu.vector_store %arg7[%swap3A_46, %swap3A_47], %broadcast_in_dim3A_34 {strides = array<i32>} : memref<128x1xi32, #tpu.memory_space<vmem>>, vector<128x1xi32>,
      } else {
      }
      %gt3A = arith.constant 0 : i32
      %gt3A_40 = arith.cmpi sgt, %arg1, %gt3A : i32
      %convert_element_type3A_41 = arith.extui %gt3A_40 : i1 to i32
      %cond3A_42 = arith.constant 0 : i32
      %cond3A_43 = arith.cmpi ne, %convert_element_type3A_41, %cond3A_42 : i32
      scf.if %cond3A_43 {
        %get3A_44 = arith.constant 0 : index
        %get3A_45 = arith.constant 0 : index
        %get3A_46 = vector.load %arg6[%get3A_44, %get3A_45] : memref<128x1xf32, #tpu.memory_space<vmem>>, vector<128x1xf32>
        %gt3A_47 = arith.cmpf ogt, %broadcast_in_dim3A, %get3A_46 : vector<128x1xf32>
        %get3A_48 = arith.constant 0 : index
        %get3A_49 = arith.constant 0 : index
        %get3A_50 = vector.load %arg7[%get3A_48, %get3A_49] : memref<128x1xi32, #tpu.memory_space<vmem>>, vector<128x1xi32>
        %select_n3A_51 = arith.select %gt3A_47, %broadcast_in_dim3A_34, %get3A_50 : vector<128x1xi1>, vector<128x1xi32>
        %swap3A = arith.constant 0 : index
        %swap3A_52 = arith.constant 0 : index
        %swap3A_53 = vector.load %arg7[%swap3A, %swap3A_52] : memref<128x1xi32, #tpu.memory_space<vmem>>, vector<128x1xi32>
        tpu.vector_store %arg7[%swap3A, %swap3A_52], %select_n3A_51 {strides = array<i32>} : memref<128x1xi32, #tpu.memory_space<vmem>>, vector<128x1xi32>,
        %get3A_54 = arith.constant 0 : index
        %get3A_55 = arith.constant 0 : index
        %get3A_56 = vector.load %arg6[%get3A_54, %get3A_55] : memref<128x1xf32, #tpu.memory_space<vmem>>, vector<128x1xf32>
        %select_n3A_57 = arith.select %gt3A_47, %broadcast_in_dim3A, %get3A_56 : vector<128x1xi1>, vector<128x1xf32>
        %swap3A_58 = arith.constant 0 : index
        %swap3A_59 = arith.constant 0 : index
        %swap3A_60 = vector.load %arg6[%swap3A_58, %swap3A_59] : memref<128x1xf32, #tpu.memory_space<vmem>>, vector<128x1xf32>
        tpu.vector_store %arg6[%swap3A_58, %swap3A_59], %select_n3A_57 {strides = array<i32>} : memref<128x1xf32, #tpu.memory_space<vmem>>, vector<128x1xf32>,
      } else {
      }
    } else {
    }
    %eq3A_4 = arith.constant 1 : i32
    %eq3A_5 = arith.cmpi eq, %arg0, %eq3A_4 : i32
    %convert_element_type3A_6 = arith.extui %eq3A_5 : i1 to i32
    %cond3A_7 = arith.constant 0 : i32
    %cond3A_8 = arith.cmpi ne, %convert_element_type3A_6, %cond3A_7 : i32
    scf.if %cond3A_8 {
      %get3A_27 = arith.constant 0 : index
      %get3A_28 = arith.constant 0 : index
      %get3A_29 = vector.load %arg6[%get3A_27, %get3A_28] : memref<128x1xf32, #tpu.memory_space<vmem>>, vector<128x1xf32>
      %sub3A = vector.broadcast %get3A_29 : vector<128x1xf32> to vector<128x2048xf32>
      %sub3A_30 = arith.subf %get3A_1, %sub3A : vector<128x2048xf32>
      %exp3A = math.exp %sub3A_30 : vector<128x2048xf32>
      %reduce_sum3A = arith.constant dense<0.000000e+00> : vector<128xf32>
      %reduce_sum3A_31 = vector.multi_reduction <add>, %exp3A, %reduce_sum3A [1] : vector<128x2048xf32> to vector<128xf32>
      %broadcast_in_dim3A = vector.shape_cast %reduce_sum3A_31 : vector<128xf32> to vector<128x1xf32>
      %eq3A_32 = arith.constant 0 : i32
      %eq3A_33 = arith.cmpi eq, %arg1, %eq3A_32 : i32
      %convert_element_type3A_34 = arith.extui %eq3A_33 : i1 to i32
      %cond3A_35 = arith.constant 0 : i32
      %cond3A_36 = arith.cmpi ne, %convert_element_type3A_34, %cond3A_35 : i32
      scf.if %cond3A_36 {
        %swap3A = arith.constant 0 : index
        %swap3A_41 = arith.constant 0 : index
        %swap3A_42 = vector.load %arg25[%swap3A, %swap3A_41] : memref<128x1xf32, #tpu.memory_space<vmem>>, vector<128x1xf32>
        tpu.vector_store %arg25[%swap3A, %swap3A_41], %broadcast_in_dim3A {strides = array<i32>} : memref<128x1xf32, #tpu.memory_space<vmem>>, vector<128x1xf32>,
      } else {
      }
      %gt3A = arith.constant 0 : i32
      %gt3A_37 = arith.cmpi sgt, %arg1, %gt3A : i32
      %convert_element_type3A_38 = arith.extui %gt3A_37 : i1 to i32
      %cond3A_39 = arith.constant 0 : i32
      %cond3A_40 = arith.cmpi ne, %convert_element_type3A_38, %cond3A_39 : i32
      scf.if %cond3A_40 {
        %get3A_41 = arith.constant 0 : index
        %get3A_42 = arith.constant 0 : index
        %get3A_43 = vector.load %arg25[%get3A_41, %get3A_42] : memref<128x1xf32, #tpu.memory_space<vmem>>, vector<128x1xf32>
        %add3A = arith.addf %get3A_43, %broadcast_in_dim3A : vector<128x1xf32>
        %swap3A = arith.constant 0 : index
        %swap3A_44 = arith.constant 0 : index
        %swap3A_45 = vector.load %arg25[%swap3A, %swap3A_44] : memref<128x1xf32, #tpu.memory_space<vmem>>, vector<128x1xf32>
        tpu.vector_store %arg25[%swap3A, %swap3A_44], %add3A {strides = array<i32>} : memref<128x1xf32, #tpu.memory_space<vmem>>, vector<128x1xf32>,
      } else {
      }
    } else {
    }
    %ge3A = arith.constant 2 : i32
    %ge3A_9 = arith.cmpi sge, %arg0, %ge3A : i32
    %eq3A_10 = arith.constant 0 : i32
    %eq3A_11 = arith.cmpi eq, %arg1, %eq3A_10 : i32
    %and3A = arith.andi %ge3A_9, %eq3A_11 : i1
    %convert_element_type3A_12 = arith.extui %and3A : i1 to i32
    %cond3A_13 = arith.constant 0 : i32
    %cond3A_14 = arith.cmpi ne, %convert_element_type3A_12, %cond3A_13 : i32
    scf.if %cond3A_14 {
      %eq3A_27 = arith.constant 2 : i32
      %eq3A_28 = arith.cmpi eq, %arg0, %eq3A_27 : i32
      %convert_element_type3A_29 = arith.extui %eq3A_28 : i1 to i32
      %cond3A_30 = arith.constant 0 : i32
      %cond3A_31 = arith.cmpi ne, %convert_element_type3A_29, %cond3A_30 : i32
      scf.if %cond3A_31 {
        %broadcast_in_dim3A = arith.constant -1324247849 : i32
        %broadcast_in_dim3A_46 = vector.broadcast %broadcast_in_dim3A : i32 to vector<128x1xi32>
        %swap3A = arith.constant 0 : index
        %swap3A_47 = arith.constant 0 : index
        %swap3A_48 = vector.load %arg11[%swap3A, %swap3A_47] : memref<128x1xi32, #tpu.memory_space<vmem>>, vector<128x1xi32>
        tpu.vector_store %arg11[%swap3A, %swap3A_47], %broadcast_in_dim3A_46 {strides = array<i32>} : memref<128x1xi32, #tpu.memory_space<vmem>>, vector<128x1xi32>,
        %get3A_49 = arith.constant 0 : index
        %get3A_50 = arith.constant 0 : index
        %get3A_51 = vector.load %arg6[%get3A_49, %get3A_50] : memref<128x1xf32, #tpu.memory_space<vmem>>, vector<128x1xf32>
        %bitcast_convert_type3A = tpu.bitcast %get3A_51 : vector<128x1xf32> -> vector<128x1xi32>
        %shift_right_arithmetic3A = arith.constant 31 : i32
        %shift_right_arithmetic3A_52 = vector.broadcast %shift_right_arithmetic3A : i32 to vector<128x1xi32>
        %shift_right_arithmetic3A_53 = arith.shrsi %bitcast_convert_type3A, %shift_right_arithmetic3A_52 : vector<128x1xi32>
        %and3A_54 = arith.constant 2147483647 : i32
        %and3A_55 = vector.broadcast %and3A_54 : i32 to vector<128x1xi32>
        %and3A_56 = arith.andi %shift_right_arithmetic3A_53, %and3A_55 : vector<128x1xi32>
        %xor3A = arith.xori %bitcast_convert_type3A, %and3A_56 : vector<128x1xi32>
        %swap3A_57 = arith.constant 0 : index
        %swap3A_58 = arith.constant 0 : index
        %swap3A_59 = vector.load %arg12[%swap3A_57, %swap3A_58] : memref<128x1xi32, #tpu.memory_space<vmem>>, vector<128x1xi32>
        tpu.vector_store %arg12[%swap3A_57, %swap3A_58], %xor3A {strides = array<i32>} : memref<128x1xi32, #tpu.memory_space<vmem>>, vector<128x1xi32>,
      } else {
      }
      %gt3A = arith.constant 2 : i32
      %gt3A_32 = arith.cmpi sgt, %arg0, %gt3A : i32
      %convert_element_type3A_33 = arith.extui %gt3A_32 : i1 to i32
      %cond3A_34 = arith.constant 0 : i32
      %cond3A_35 = arith.cmpi ne, %convert_element_type3A_33, %cond3A_34 : i32
      scf.if %cond3A_35 {
        %get3A_46 = arith.constant 0 : index
        %get3A_47 = arith.constant 0 : index
        %get3A_48 = vector.load %arg3[%get3A_46, %get3A_47] : memref<128x1xf32, #tpu.memory_space<vmem>>, vector<128x1xf32>
        %get3A_49 = arith.constant 0 : index
        %get3A_50 = arith.constant 0 : index
        %get3A_51 = vector.load %arg4[%get3A_49, %get3A_50] : memref<128x1xf32, #tpu.memory_space<vmem>>, vector<128x1xf32>
        %get3A_52 = arith.constant 0 : index
        %get3A_53 = arith.constant 0 : index
        %get3A_54 = vector.load %arg25[%get3A_52, %get3A_53] : memref<128x1xf32, #tpu.memory_space<vmem>>, vector<128x1xf32>
        %mul3A = arith.mulf %get3A_51, %get3A_54 : vector<128x1xf32>
        %get3A_55 = arith.constant 0 : index
        %get3A_56 = arith.constant 0 : index
        %get3A_57 = vector.load %arg19[%get3A_55, %get3A_56] : memref<128x1xf32, #tpu.memory_space<vmem>>, vector<128x1xf32>
        %add3A = arith.constant 1.000000e+00 : f32
        %add3A_58 = vector.broadcast %add3A : f32 to vector<128x1xf32>
        %add3A_59 = arith.addf %get3A_57, %add3A_58 : vector<128x1xf32>
        %le3A = arith.cmpf ole, %add3A_59, %get3A_48 : vector<128x1xf32>
        %get3A_60 = arith.constant 0 : index
        %get3A_61 = arith.constant 0 : index
        %get3A_62 = vector.load %arg22[%get3A_60, %get3A_61] : memref<128x1xf32, #tpu.memory_space<vmem>>, vector<128x1xf32>
        %lt3A_63 = arith.cmpf olt, %get3A_62, %mul3A : vector<128x1xf32>
        %and3A_64 = arith.andi %le3A, %lt3A_63 : vector<128x1xi1>
        %get3A_65 = arith.constant 0 : index
        %get3A_66 = arith.constant 0 : index
        %get3A_67 = vector.load %arg20[%get3A_65, %get3A_66] : memref<128x1xf32, #tpu.memory_space<vmem>>, vector<128x1xf32>
        %add3A_68 = arith.constant 1.000000e+00 : f32
        %add3A_69 = vector.broadcast %add3A_68 : f32 to vector<128x1xf32>
        %add3A_70 = arith.addf %get3A_67, %add3A_69 : vector<128x1xf32>
        %le3A_71 = arith.cmpf ole, %add3A_70, %get3A_48 : vector<128x1xf32>
        %get3A_72 = arith.constant 0 : index
        %get3A_73 = arith.constant 0 : index
        %get3A_74 = vector.load %arg23[%get3A_72, %get3A_73] : memref<128x1xf32, #tpu.memory_space<vmem>>, vector<128x1xf32>
        %lt3A_75 = arith.cmpf olt, %get3A_74, %mul3A : vector<128x1xf32>
        %and3A_76 = arith.andi %le3A_71, %lt3A_75 : vector<128x1xi1>
        %get3A_77 = arith.constant 0 : index
        %get3A_78 = arith.constant 0 : index
        %get3A_79 = vector.load %arg21[%get3A_77, %get3A_78] : memref<128x1xf32, #tpu.memory_space<vmem>>, vector<128x1xf32>
        %add3A_80 = arith.constant 1.000000e+00 : f32
        %add3A_81 = vector.broadcast %add3A_80 : f32 to vector<128x1xf32>
        %add3A_82 = arith.addf %get3A_79, %add3A_81 : vector<128x1xf32>
        %le3A_83 = arith.cmpf ole, %add3A_82, %get3A_48 : vector<128x1xf32>
        %get3A_84 = arith.constant 0 : index
        %get3A_85 = arith.constant 0 : index
        %get3A_86 = vector.load %arg24[%get3A_84, %get3A_85] : memref<128x1xf32, #tpu.memory_space<vmem>>, vector<128x1xf32>
        %lt3A_87 = arith.cmpf olt, %get3A_86, %mul3A : vector<128x1xf32>
        %and3A_88 = arith.andi %le3A_83, %lt3A_87 : vector<128x1xi1>
        %not3A = arith.constant dense<true> : vector<128x1xi1>
        %not3A_89 = arith.xori %and3A_88, %not3A : vector<128x1xi1>
        %get3A_90 = arith.constant 0 : index
        %get3A_91 = arith.constant 0 : index
        %get3A_92 = vector.load %arg15[%get3A_90, %get3A_91] : memref<128x1xi32, #tpu.memory_space<vmem>>, vector<128x1xi32>
        %not3A_93 = arith.constant dense<true> : vector<128x1xi1>
        %not3A_94 = arith.xori %and3A_76, %not3A_93 : vector<128x1xi1>
        %get3A_95 = arith.constant 0 : index
        %get3A_96 = arith.constant 0 : index
        %get3A_97 = vector.load %arg14[%get3A_95, %get3A_96] : memref<128x1xi32, #tpu.memory_space<vmem>>, vector<128x1xi32>
        %not3A_98 = arith.constant dense<true> : vector<128x1xi1>
        %not3A_99 = arith.xori %and3A_64, %not3A_98 : vector<128x1xi1>
        %get3A_100 = arith.constant 0 : index
        %get3A_101 = arith.constant 0 : index
        %get3A_102 = vector.load %arg13[%get3A_100, %get3A_101] : memref<128x1xi32, #tpu.memory_space<vmem>>, vector<128x1xi32>
        %get3A_103 = arith.constant 0 : index
        %get3A_104 = arith.constant 0 : index
        %get3A_105 = vector.load %arg11[%get3A_103, %get3A_104] : memref<128x1xi32, #tpu.memory_space<vmem>>, vector<128x1xi32>
        %select_n3A = arith.select %not3A_99, %get3A_102, %get3A_105 : vector<128x1xi1>, vector<128x1xi32>
        %select_n3A_106 = arith.select %not3A_94, %get3A_97, %select_n3A : vector<128x1xi1>, vector<128x1xi32>
        %select_n3A_107 = arith.select %not3A_89, %get3A_92, %select_n3A_106 : vector<128x1xi1>, vector<128x1xi32>
        %swap3A = arith.constant 0 : index
        %swap3A_108 = arith.constant 0 : index
        %swap3A_109 = vector.load %arg11[%swap3A, %swap3A_108] : memref<128x1xi32, #tpu.memory_space<vmem>>, vector<128x1xi32>
        tpu.vector_store %arg11[%swap3A, %swap3A_108], %select_n3A_107 {strides = array<i32>} : memref<128x1xi32, #tpu.memory_space<vmem>>, vector<128x1xi32>,
        %get3A_110 = arith.constant 0 : index
        %get3A_111 = arith.constant 0 : index
        %get3A_112 = vector.load %arg13[%get3A_110, %get3A_111] : memref<128x1xi32, #tpu.memory_space<vmem>>, vector<128x1xi32>
        %get3A_113 = arith.constant 0 : index
        %get3A_114 = arith.constant 0 : index
        %get3A_115 = vector.load %arg14[%get3A_113, %get3A_114] : memref<128x1xi32, #tpu.memory_space<vmem>>, vector<128x1xi32>
        %get3A_116 = arith.constant 0 : index
        %get3A_117 = arith.constant 0 : index
        %get3A_118 = vector.load %arg15[%get3A_116, %get3A_117] : memref<128x1xi32, #tpu.memory_space<vmem>>, vector<128x1xi32>
        %get3A_119 = arith.constant 0 : index
        %get3A_120 = arith.constant 0 : index
        %get3A_121 = vector.load %arg12[%get3A_119, %get3A_120] : memref<128x1xi32, #tpu.memory_space<vmem>>, vector<128x1xi32>
        %select_n3A_122 = arith.select %and3A_88, %get3A_118, %get3A_121 : vector<128x1xi1>, vector<128x1xi32>
        %select_n3A_123 = arith.select %and3A_76, %get3A_115, %select_n3A_122 : vector<128x1xi1>, vector<128x1xi32>
        %select_n3A_124 = arith.select %and3A_64, %get3A_112, %select_n3A_123 : vector<128x1xi1>, vector<128x1xi32>
        %swap3A_125 = arith.constant 0 : index
        %swap3A_126 = arith.constant 0 : index
        %swap3A_127 = vector.load %arg12[%swap3A_125, %swap3A_126] : memref<128x1xi32, #tpu.memory_space<vmem>>, vector<128x1xi32>
        tpu.vector_store %arg12[%swap3A_125, %swap3A_126], %select_n3A_124 {strides = array<i32>} : memref<128x1xi32, #tpu.memory_space<vmem>>, vector<128x1xi32>,
      } else {
      }
      %lt3A_36 = arith.constant 20 : i32
      %lt3A_37 = arith.cmpi slt, %arg0, %lt3A_36 : i32
      %convert_element_type3A_38 = arith.extui %lt3A_37 : i1 to i32
      %cond3A_39 = arith.constant 0 : i32
      %cond3A_40 = arith.cmpi ne, %convert_element_type3A_38, %cond3A_39 : i32
      scf.if %cond3A_40 {
        %get3A_46 = arith.constant 0 : index
        %get3A_47 = arith.constant 0 : index
        %get3A_48 = vector.load %arg11[%get3A_46, %get3A_47] : memref<128x1xi32, #tpu.memory_space<vmem>>, vector<128x1xi32>
        %get3A_49 = arith.constant 0 : index
        %get3A_50 = arith.constant 0 : index
        %get3A_51 = vector.load %arg12[%get3A_49, %get3A_50] : memref<128x1xi32, #tpu.memory_space<vmem>>, vector<128x1xi32>
        %shift_right_arithmetic3A = arith.constant 1 : i32
        %shift_right_arithmetic3A_52 = vector.broadcast %shift_right_arithmetic3A : i32 to vector<128x1xi32>
        %shift_right_arithmetic3A_53 = arith.shrsi %get3A_48, %shift_right_arithmetic3A_52 : vector<128x1xi32>
        %shift_right_arithmetic3A_54 = arith.constant 1 : i32
        %shift_right_arithmetic3A_55 = vector.broadcast %shift_right_arithmetic3A_54 : i32 to vector<128x1xi32>
        %shift_right_arithmetic3A_56 = arith.shrsi %get3A_51, %shift_right_arithmetic3A_55 : vector<128x1xi32>
        %add3A = arith.addi %shift_right_arithmetic3A_53, %shift_right_arithmetic3A_56 : vector<128x1xi32>
        %and3A_57 = arith.andi %get3A_48, %get3A_51 : vector<128x1xi32>
        %and3A_58 = arith.constant 1 : i32
        %and3A_59 = vector.broadcast %and3A_58 : i32 to vector<128x1xi32>
        %and3A_60 = arith.andi %and3A_57, %and3A_59 : vector<128x1xi32>
        %add3A_61 = arith.addi %add3A, %and3A_60 : vector<128x1xi32>
        %get3A_62 = arith.constant 0 : index
        %get3A_63 = arith.constant 0 : index
        %get3A_64 = vector.load %arg11[%get3A_62, %get3A_63] : memref<128x1xi32, #tpu.memory_space<vmem>>, vector<128x1xi32>
        %shift_right_arithmetic3A_65 = arith.constant 1 : i32
        %shift_right_arithmetic3A_66 = vector.broadcast %shift_right_arithmetic3A_65 : i32 to vector<128x1xi32>
        %shift_right_arithmetic3A_67 = arith.shrsi %get3A_64, %shift_right_arithmetic3A_66 : vector<128x1xi32>
        %shift_right_arithmetic3A_68 = arith.constant 1 : i32
        %shift_right_arithmetic3A_69 = vector.broadcast %shift_right_arithmetic3A_68 : i32 to vector<128x1xi32>
        %shift_right_arithmetic3A_70 = arith.shrsi %add3A_61, %shift_right_arithmetic3A_69 : vector<128x1xi32>
        %add3A_71 = arith.addi %shift_right_arithmetic3A_67, %shift_right_arithmetic3A_70 : vector<128x1xi32>
        %and3A_72 = arith.andi %get3A_64, %add3A_61 : vector<128x1xi32>
        %and3A_73 = arith.constant 1 : i32
        %and3A_74 = vector.broadcast %and3A_73 : i32 to vector<128x1xi32>
        %and3A_75 = arith.andi %and3A_72, %and3A_74 : vector<128x1xi32>
        %add3A_76 = arith.addi %add3A_71, %and3A_75 : vector<128x1xi32>
        %get3A_77 = arith.constant 0 : index
        %get3A_78 = arith.constant 0 : index
        %get3A_79 = vector.load %arg12[%get3A_77, %get3A_78] : memref<128x1xi32, #tpu.memory_space<vmem>>, vector<128x1xi32>
        %shift_right_arithmetic3A_80 = arith.constant 1 : i32
        %shift_right_arithmetic3A_81 = vector.broadcast %shift_right_arithmetic3A_80 : i32 to vector<128x1xi32>
        %shift_right_arithmetic3A_82 = arith.shrsi %add3A_61, %shift_right_arithmetic3A_81 : vector<128x1xi32>
        %shift_right_arithmetic3A_83 = arith.constant 1 : i32
        %shift_right_arithmetic3A_84 = vector.broadcast %shift_right_arithmetic3A_83 : i32 to vector<128x1xi32>
        %shift_right_arithmetic3A_85 = arith.shrsi %get3A_79, %shift_right_arithmetic3A_84 : vector<128x1xi32>
        %add3A_86 = arith.addi %shift_right_arithmetic3A_82, %shift_right_arithmetic3A_85 : vector<128x1xi32>
        %and3A_87 = arith.andi %add3A_61, %get3A_79 : vector<128x1xi32>
        %and3A_88 = arith.constant 1 : i32
        %and3A_89 = vector.broadcast %and3A_88 : i32 to vector<128x1xi32>
        %and3A_90 = arith.andi %and3A_87, %and3A_89 : vector<128x1xi32>
        %add3A_91 = arith.addi %add3A_86, %and3A_90 : vector<128x1xi32>
        %swap3A = arith.constant 0 : index
        %swap3A_92 = arith.constant 0 : index
        %swap3A_93 = vector.load %arg13[%swap3A, %swap3A_92] : memref<128x1xi32, #tpu.memory_space<vmem>>, vector<128x1xi32>
        tpu.vector_store %arg13[%swap3A, %swap3A_92], %add3A_76 {strides = array<i32>} : memref<128x1xi32, #tpu.memory_space<vmem>>, vector<128x1xi32>,
        %swap3A_94 = arith.constant 0 : index
        %swap3A_95 = arith.constant 0 : index
        %swap3A_96 = vector.load %arg14[%swap3A_94, %swap3A_95] : memref<128x1xi32, #tpu.memory_space<vmem>>, vector<128x1xi32>
        tpu.vector_store %arg14[%swap3A_94, %swap3A_95], %add3A_61 {strides = array<i32>} : memref<128x1xi32, #tpu.memory_space<vmem>>, vector<128x1xi32>,
        %swap3A_97 = arith.constant 0 : index
        %swap3A_98 = arith.constant 0 : index
        %swap3A_99 = vector.load %arg15[%swap3A_97, %swap3A_98] : memref<128x1xi32, #tpu.memory_space<vmem>>, vector<128x1xi32>
        tpu.vector_store %arg15[%swap3A_97, %swap3A_98], %add3A_91 {strides = array<i32>} : memref<128x1xi32, #tpu.memory_space<vmem>>, vector<128x1xi32>,
        %shift_right_arithmetic3A_100 = arith.constant 31 : i32
        %shift_right_arithmetic3A_101 = vector.broadcast %shift_right_arithmetic3A_100 : i32 to vector<128x1xi32>
        %shift_right_arithmetic3A_102 = arith.shrsi %add3A_76, %shift_right_arithmetic3A_101 : vector<128x1xi32>
        %and3A_103 = arith.constant 2147483647 : i32
        %and3A_104 = vector.broadcast %and3A_103 : i32 to vector<128x1xi32>
        %and3A_105 = arith.andi %shift_right_arithmetic3A_102, %and3A_104 : vector<128x1xi32>
        %xor3A = arith.xori %add3A_76, %and3A_105 : vector<128x1xi32>
        %bitcast_convert_type3A = tpu.bitcast %xor3A : vector<128x1xi32> -> vector<128x1xf32>
        %shift_right_arithmetic3A_106 = arith.constant 31 : i32
        %shift_right_arithmetic3A_107 = vector.broadcast %shift_right_arithmetic3A_106 : i32 to vector<128x1xi32>
        %shift_right_arithmetic3A_108 = arith.shrsi %add3A_61, %shift_right_arithmetic3A_107 : vector<128x1xi32>
        %and3A_109 = arith.constant 2147483647 : i32
        %and3A_110 = vector.broadcast %and3A_109 : i32 to vector<128x1xi32>
        %and3A_111 = arith.andi %shift_right_arithmetic3A_108, %and3A_110 : vector<128x1xi32>
        %xor3A_112 = arith.xori %add3A_61, %and3A_111 : vector<128x1xi32>
        %bitcast_convert_type3A_113 = tpu.bitcast %xor3A_112 : vector<128x1xi32> -> vector<128x1xf32>
        %shift_right_arithmetic3A_114 = arith.constant 31 : i32
        %shift_right_arithmetic3A_115 = vector.broadcast %shift_right_arithmetic3A_114 : i32 to vector<128x1xi32>
        %shift_right_arithmetic3A_116 = arith.shrsi %add3A_91, %shift_right_arithmetic3A_115 : vector<128x1xi32>
        %and3A_117 = arith.constant 2147483647 : i32
        %and3A_118 = vector.broadcast %and3A_117 : i32 to vector<128x1xi32>
        %and3A_119 = arith.andi %shift_right_arithmetic3A_116, %and3A_118 : vector<128x1xi32>
        %xor3A_120 = arith.xori %add3A_91, %and3A_119 : vector<128x1xi32>
        %bitcast_convert_type3A_121 = tpu.bitcast %xor3A_120 : vector<128x1xi32> -> vector<128x1xf32>
        %swap3A_122 = arith.constant 0 : index
        %swap3A_123 = arith.constant 0 : index
        %swap3A_124 = vector.load %arg16[%swap3A_122, %swap3A_123] : memref<128x1xf32, #tpu.memory_space<vmem>>, vector<128x1xf32>
        tpu.vector_store %arg16[%swap3A_122, %swap3A_123], %bitcast_convert_type3A {strides = array<i32>} : memref<128x1xf32, #tpu.memory_space<vmem>>, vector<128x1xf32>,
        %swap3A_125 = arith.constant 0 : index
        %swap3A_126 = arith.constant 0 : index
        %swap3A_127 = vector.load %arg17[%swap3A_125, %swap3A_126] : memref<128x1xf32, #tpu.memory_space<vmem>>, vector<128x1xf32>
        tpu.vector_store %arg17[%swap3A_125, %swap3A_126], %bitcast_convert_type3A_113 {strides = array<i32>} : memref<128x1xf32, #tpu.memory_space<vmem>>, vector<128x1xf32>,
        %swap3A_128 = arith.constant 0 : index
        %swap3A_129 = arith.constant 0 : index
        %swap3A_130 = vector.load %arg18[%swap3A_128, %swap3A_129] : memref<128x1xf32, #tpu.memory_space<vmem>>, vector<128x1xf32>
        tpu.vector_store %arg18[%swap3A_128, %swap3A_129], %bitcast_convert_type3A_121 {strides = array<i32>} : memref<128x1xf32, #tpu.memory_space<vmem>>, vector<128x1xf32>,
        %broadcast_in_dim3A = arith.constant 0.000000e+00 : f32
        %broadcast_in_dim3A_131 = vector.broadcast %broadcast_in_dim3A : f32 to vector<128x1xf32>
        %swap3A_132 = arith.constant 0 : index
        %swap3A_133 = arith.constant 0 : index
        %swap3A_134 = vector.load %arg19[%swap3A_132, %swap3A_133] : memref<128x1xf32, #tpu.memory_space<vmem>>, vector<128x1xf32>
        tpu.vector_store %arg19[%swap3A_132, %swap3A_133], %broadcast_in_dim3A_131 {strides = array<i32>} : memref<128x1xf32, #tpu.memory_space<vmem>>, vector<128x1xf32>,
        %swap3A_135 = arith.constant 0 : index
        %swap3A_136 = arith.constant 0 : index
        %swap3A_137 = vector.load %arg20[%swap3A_135, %swap3A_136] : memref<128x1xf32, #tpu.memory_space<vmem>>, vector<128x1xf32>
        tpu.vector_store %arg20[%swap3A_135, %swap3A_136], %broadcast_in_dim3A_131 {strides = array<i32>} : memref<128x1xf32, #tpu.memory_space<vmem>>, vector<128x1xf32>,
        %swap3A_138 = arith.constant 0 : index
        %swap3A_139 = arith.constant 0 : index
        %swap3A_140 = vector.load %arg21[%swap3A_138, %swap3A_139] : memref<128x1xf32, #tpu.memory_space<vmem>>, vector<128x1xf32>
        tpu.vector_store %arg21[%swap3A_138, %swap3A_139], %broadcast_in_dim3A_131 {strides = array<i32>} : memref<128x1xf32, #tpu.memory_space<vmem>>, vector<128x1xf32>,
        %swap3A_141 = arith.constant 0 : index
        %swap3A_142 = arith.constant 0 : index
        %swap3A_143 = vector.load %arg22[%swap3A_141, %swap3A_142] : memref<128x1xf32, #tpu.memory_space<vmem>>, vector<128x1xf32>
        tpu.vector_store %arg22[%swap3A_141, %swap3A_142], %broadcast_in_dim3A_131 {strides = array<i32>} : memref<128x1xf32, #tpu.memory_space<vmem>>, vector<128x1xf32>,
        %swap3A_144 = arith.constant 0 : index
        %swap3A_145 = arith.constant 0 : index
        %swap3A_146 = vector.load %arg23[%swap3A_144, %swap3A_145] : memref<128x1xf32, #tpu.memory_space<vmem>>, vector<128x1xf32>
        tpu.vector_store %arg23[%swap3A_144, %swap3A_145], %broadcast_in_dim3A_131 {strides = array<i32>} : memref<128x1xf32, #tpu.memory_space<vmem>>, vector<128x1xf32>,
        %swap3A_147 = arith.constant 0 : index
        %swap3A_148 = arith.constant 0 : index
        %swap3A_149 = vector.load %arg24[%swap3A_147, %swap3A_148] : memref<128x1xf32, #tpu.memory_space<vmem>>, vector<128x1xf32>
        tpu.vector_store %arg24[%swap3A_147, %swap3A_148], %broadcast_in_dim3A_131 {strides = array<i32>} : memref<128x1xf32, #tpu.memory_space<vmem>>, vector<128x1xf32>,
      } else {
      }
      %eq3A_41 = arith.constant 20 : i32
      %eq3A_42 = arith.cmpi eq, %arg0, %eq3A_41 : i32
      %convert_element_type3A_43 = arith.extui %eq3A_42 : i1 to i32
      %cond3A_44 = arith.constant 0 : i32
      %cond3A_45 = arith.cmpi ne, %convert_element_type3A_43, %cond3A_44 : i32
      scf.if %cond3A_45 {
        %get3A_46 = arith.constant 0 : index
        %get3A_47 = arith.constant 0 : index
        %get3A_48 = vector.load %arg11[%get3A_46, %get3A_47] : memref<128x1xi32, #tpu.memory_space<vmem>>, vector<128x1xi32>
        %shift_right_arithmetic3A = arith.constant 31 : i32
        %shift_right_arithmetic3A_49 = vector.broadcast %shift_right_arithmetic3A : i32 to vector<128x1xi32>
        %shift_right_arithmetic3A_50 = arith.shrsi %get3A_48, %shift_right_arithmetic3A_49 : vector<128x1xi32>
        %and3A_51 = arith.constant 2147483647 : i32
        %and3A_52 = vector.broadcast %and3A_51 : i32 to vector<128x1xi32>
        %and3A_53 = arith.andi %shift_right_arithmetic3A_50, %and3A_52 : vector<128x1xi32>
        %xor3A = arith.xori %get3A_48, %and3A_53 : vector<128x1xi32>
        %bitcast_convert_type3A = tpu.bitcast %xor3A : vector<128x1xi32> -> vector<128x1xf32>
        %swap3A = arith.constant 0 : index
        %swap3A_54 = arith.constant 0 : index
        %swap3A_55 = vector.load %arg8[%swap3A, %swap3A_54] : memref<128x1xf32, #tpu.memory_space<vmem>>, vector<128x1xf32>
        tpu.vector_store %arg8[%swap3A, %swap3A_54], %bitcast_convert_type3A {strides = array<i32>} : memref<128x1xf32, #tpu.memory_space<vmem>>, vector<128x1xf32>,
        %get3A_56 = arith.constant 0 : index
        %get3A_57 = arith.constant 0 : index
        %get3A_58 = vector.load %arg6[%get3A_56, %get3A_57] : memref<128x1xf32, #tpu.memory_space<vmem>>, vector<128x1xf32>
        %get3A_59 = arith.constant 0 : index
        %get3A_60 = arith.constant 0 : index
        %get3A_61 = vector.load %arg5[%get3A_59, %get3A_60] : memref<128x1xf32, #tpu.memory_space<vmem>>, vector<128x1xf32>
        %log3A = math.log %get3A_61 : vector<128x1xf32>
        %add3A = arith.addf %get3A_58, %log3A : vector<128x1xf32>
        %swap3A_62 = arith.constant 0 : index
        %swap3A_63 = arith.constant 0 : index
        %swap3A_64 = vector.load %arg9[%swap3A_62, %swap3A_63] : memref<128x1xf32, #tpu.memory_space<vmem>>, vector<128x1xf32>
        tpu.vector_store %arg9[%swap3A_62, %swap3A_63], %add3A {strides = array<i32>} : memref<128x1xf32, #tpu.memory_space<vmem>>, vector<128x1xf32>,
      } else {
      }
    } else {
    }
    %ge3A_15 = arith.constant 2 : i32
    %ge3A_16 = arith.cmpi sge, %arg0, %ge3A_15 : i32
    %lt3A = arith.constant 20 : i32
    %lt3A_17 = arith.cmpi slt, %arg0, %lt3A : i32
    %and3A_18 = arith.andi %ge3A_16, %lt3A_17 : i1
    %convert_element_type3A_19 = arith.extui %and3A_18 : i1 to i32
    %cond3A_20 = arith.constant 0 : i32
    %cond3A_21 = arith.cmpi ne, %convert_element_type3A_19, %cond3A_20 : i32
    scf.if %cond3A_21 {
      %get3A_27 = arith.constant 0 : index
      %get3A_28 = arith.constant 0 : index
      %get3A_29 = vector.load %arg6[%get3A_27, %get3A_28] : memref<128x1xf32, #tpu.memory_space<vmem>>, vector<128x1xf32>
      %sub3A = vector.broadcast %get3A_29 : vector<128x1xf32> to vector<128x2048xf32>
      %sub3A_30 = arith.subf %get3A_1, %sub3A : vector<128x2048xf32>
      %exp3A = math.exp %sub3A_30 : vector<128x2048xf32>
      %get3A_31 = arith.constant 0 : index
      %get3A_32 = arith.constant 0 : index
      %get3A_33 = vector.load %arg16[%get3A_31, %get3A_32] : memref<128x1xf32, #tpu.memory_space<vmem>>, vector<128x1xf32>
      %gt3A = vector.broadcast %get3A_33 : vector<128x1xf32> to vector<128x2048xf32>
      %gt3A_34 = arith.cmpf ogt, %get3A_1, %gt3A : vector<128x2048xf32>
      %get3A_35 = arith.constant 0 : index
      %get3A_36 = arith.constant 0 : index
      %get3A_37 = vector.load %arg17[%get3A_35, %get3A_36] : memref<128x1xf32, #tpu.memory_space<vmem>>, vector<128x1xf32>
      %gt3A_38 = vector.broadcast %get3A_37 : vector<128x1xf32> to vector<128x2048xf32>
      %gt3A_39 = arith.cmpf ogt, %get3A_1, %gt3A_38 : vector<128x2048xf32>
      %get3A_40 = arith.constant 0 : index
      %get3A_41 = arith.constant 0 : index
      %get3A_42 = vector.load %arg18[%get3A_40, %get3A_41] : memref<128x1xf32, #tpu.memory_space<vmem>>, vector<128x1xf32>
      %gt3A_43 = vector.broadcast %get3A_42 : vector<128x1xf32> to vector<128x2048xf32>
      %gt3A_44 = arith.cmpf ogt, %get3A_1, %gt3A_43 : vector<128x2048xf32>
      %get3A_45 = arith.constant 0 : index
      %get3A_46 = arith.constant 0 : index
      %get3A_47 = vector.load %arg19[%get3A_45, %get3A_46] : memref<128x1xf32, #tpu.memory_space<vmem>>, vector<128x1xf32>
      %jit3A = arith.constant 1.000000e+00 : f32
      %jit3A_48 = arith.constant 0.000000e+00 : f32
      %broadcast_in_dim3A = vector.broadcast %jit3A : f32 to vector<128x2048xf32>
      %broadcast_in_dim3A_49 = vector.broadcast %jit3A_48 : f32 to vector<128x2048xf32>
      %select_n3A = arith.select %gt3A_34, %broadcast_in_dim3A, %broadcast_in_dim3A_49 : vector<128x2048xi1>, vector<128x2048xf32>
      %reduce_sum3A = arith.constant dense<0.000000e+00> : vector<128xf32>
      %reduce_sum3A_50 = vector.multi_reduction <add>, %select_n3A, %reduce_sum3A [1] : vector<128x2048xf32> to vector<128xf32>
      %broadcast_in_dim3A_51 = vector.shape_cast %reduce_sum3A_50 : vector<128xf32> to vector<128x1xf32>
      %add3A = arith.addf %get3A_47, %broadcast_in_dim3A_51 : vector<128x1xf32>
      %swap3A = arith.constant 0 : index
      %swap3A_52 = arith.constant 0 : index
      %swap3A_53 = vector.load %arg19[%swap3A, %swap3A_52] : memref<128x1xf32, #tpu.memory_space<vmem>>, vector<128x1xf32>
      tpu.vector_store %arg19[%swap3A, %swap3A_52], %add3A {strides = array<i32>} : memref<128x1xf32, #tpu.memory_space<vmem>>, vector<128x1xf32>,
      %get3A_54 = arith.constant 0 : index
      %get3A_55 = arith.constant 0 : index
      %get3A_56 = vector.load %arg20[%get3A_54, %get3A_55] : memref<128x1xf32, #tpu.memory_space<vmem>>, vector<128x1xf32>
      %jit3A_57 = arith.constant 1.000000e+00 : f32
      %jit3A_58 = arith.constant 0.000000e+00 : f32
      %broadcast_in_dim3A_59 = vector.broadcast %jit3A_57 : f32 to vector<128x2048xf32>
      %broadcast_in_dim3A_60 = vector.broadcast %jit3A_58 : f32 to vector<128x2048xf32>
      %select_n3A_61 = arith.select %gt3A_39, %broadcast_in_dim3A_59, %broadcast_in_dim3A_60 : vector<128x2048xi1>, vector<128x2048xf32>
      %reduce_sum3A_62 = arith.constant dense<0.000000e+00> : vector<128xf32>
      %reduce_sum3A_63 = vector.multi_reduction <add>, %select_n3A_61, %reduce_sum3A_62 [1] : vector<128x2048xf32> to vector<128xf32>
      %broadcast_in_dim3A_64 = vector.shape_cast %reduce_sum3A_63 : vector<128xf32> to vector<128x1xf32>
      %add3A_65 = arith.addf %get3A_56, %broadcast_in_dim3A_64 : vector<128x1xf32>
      %swap3A_66 = arith.constant 0 : index
      %swap3A_67 = arith.constant 0 : index
      %swap3A_68 = vector.load %arg20[%swap3A_66, %swap3A_67] : memref<128x1xf32, #tpu.memory_space<vmem>>, vector<128x1xf32>
      tpu.vector_store %arg20[%swap3A_66, %swap3A_67], %add3A_65 {strides = array<i32>} : memref<128x1xf32, #tpu.memory_space<vmem>>, vector<128x1xf32>,
      %get3A_69 = arith.constant 0 : index
      %get3A_70 = arith.constant 0 : index
      %get3A_71 = vector.load %arg21[%get3A_69, %get3A_70] : memref<128x1xf32, #tpu.memory_space<vmem>>, vector<128x1xf32>
      %jit3A_72 = arith.constant 1.000000e+00 : f32
      %jit3A_73 = arith.constant 0.000000e+00 : f32
      %broadcast_in_dim3A_74 = vector.broadcast %jit3A_72 : f32 to vector<128x2048xf32>
      %broadcast_in_dim3A_75 = vector.broadcast %jit3A_73 : f32 to vector<128x2048xf32>
      %select_n3A_76 = arith.select %gt3A_44, %broadcast_in_dim3A_74, %broadcast_in_dim3A_75 : vector<128x2048xi1>, vector<128x2048xf32>
      %reduce_sum3A_77 = arith.constant dense<0.000000e+00> : vector<128xf32>
      %reduce_sum3A_78 = vector.multi_reduction <add>, %select_n3A_76, %reduce_sum3A_77 [1] : vector<128x2048xf32> to vector<128xf32>
      %broadcast_in_dim3A_79 = vector.shape_cast %reduce_sum3A_78 : vector<128xf32> to vector<128x1xf32>
      %add3A_80 = arith.addf %get3A_71, %broadcast_in_dim3A_79 : vector<128x1xf32>
      %swap3A_81 = arith.constant 0 : index
      %swap3A_82 = arith.constant 0 : index
      %swap3A_83 = vector.load %arg21[%swap3A_81, %swap3A_82] : memref<128x1xf32, #tpu.memory_space<vmem>>, vector<128x1xf32>
      tpu.vector_store %arg21[%swap3A_81, %swap3A_82], %add3A_80 {strides = array<i32>} : memref<128x1xf32, #tpu.memory_space<vmem>>, vector<128x1xf32>,
      %get3A_84 = arith.constant 0 : index
      %get3A_85 = arith.constant 0 : index
      %get3A_86 = vector.load %arg22[%get3A_84, %get3A_85] : memref<128x1xf32, #tpu.memory_space<vmem>>, vector<128x1xf32>
      %jit3A_87 = arith.constant 0.000000e+00 : f32
      %broadcast_in_dim3A_88 = vector.broadcast %jit3A_87 : f32 to vector<128x2048xf32>
      %select_n3A_89 = arith.select %gt3A_34, %exp3A, %broadcast_in_dim3A_88 : vector<128x2048xi1>, vector<128x2048xf32>
      %reduce_sum3A_90 = arith.constant dense<0.000000e+00> : vector<128xf32>
      %reduce_sum3A_91 = vector.multi_reduction <add>, %select_n3A_89, %reduce_sum3A_90 [1] : vector<128x2048xf32> to vector<128xf32>
      %broadcast_in_dim3A_92 = vector.shape_cast %reduce_sum3A_91 : vector<128xf32> to vector<128x1xf32>
      %add3A_93 = arith.addf %get3A_86, %broadcast_in_dim3A_92 : vector<128x1xf32>
      %swap3A_94 = arith.constant 0 : index
      %swap3A_95 = arith.constant 0 : index
      %swap3A_96 = vector.load %arg22[%swap3A_94, %swap3A_95] : memref<128x1xf32, #tpu.memory_space<vmem>>, vector<128x1xf32>
      tpu.vector_store %arg22[%swap3A_94, %swap3A_95], %add3A_93 {strides = array<i32>} : memref<128x1xf32, #tpu.memory_space<vmem>>, vector<128x1xf32>,
      %get3A_97 = arith.constant 0 : index
      %get3A_98 = arith.constant 0 : index
      %get3A_99 = vector.load %arg23[%get3A_97, %get3A_98] : memref<128x1xf32, #tpu.memory_space<vmem>>, vector<128x1xf32>
      %jit3A_100 = arith.constant 0.000000e+00 : f32
      %broadcast_in_dim3A_101 = vector.broadcast %jit3A_100 : f32 to vector<128x2048xf32>
      %select_n3A_102 = arith.select %gt3A_39, %exp3A, %broadcast_in_dim3A_101 : vector<128x2048xi1>, vector<128x2048xf32>
      %reduce_sum3A_103 = arith.constant dense<0.000000e+00> : vector<128xf32>
      %reduce_sum3A_104 = vector.multi_reduction <add>, %select_n3A_102, %reduce_sum3A_103 [1] : vector<128x2048xf32> to vector<128xf32>
      %broadcast_in_dim3A_105 = vector.shape_cast %reduce_sum3A_104 : vector<128xf32> to vector<128x1xf32>
      %add3A_106 = arith.addf %get3A_99, %broadcast_in_dim3A_105 : vector<128x1xf32>
      %swap3A_107 = arith.constant 0 : index
      %swap3A_108 = arith.constant 0 : index
      %swap3A_109 = vector.load %arg23[%swap3A_107, %swap3A_108] : memref<128x1xf32, #tpu.memory_space<vmem>>, vector<128x1xf32>
      tpu.vector_store %arg23[%swap3A_107, %swap3A_108], %add3A_106 {strides = array<i32>} : memref<128x1xf32, #tpu.memory_space<vmem>>, vector<128x1xf32>,
      %get3A_110 = arith.constant 0 : index
      %get3A_111 = arith.constant 0 : index
      %get3A_112 = vector.load %arg24[%get3A_110, %get3A_111] : memref<128x1xf32, #tpu.memory_space<vmem>>, vector<128x1xf32>
      %jit3A_113 = arith.constant 0.000000e+00 : f32
      %broadcast_in_dim3A_114 = vector.broadcast %jit3A_113 : f32 to vector<128x2048xf32>
      %select_n3A_115 = arith.select %gt3A_44, %exp3A, %broadcast_in_dim3A_114 : vector<128x2048xi1>, vector<128x2048xf32>
      %reduce_sum3A_116 = arith.constant dense<0.000000e+00> : vector<128xf32>
      %reduce_sum3A_117 = vector.multi_reduction <add>, %select_n3A_115, %reduce_sum3A_116 [1] : vector<128x2048xf32> to vector<128xf32>
      %broadcast_in_dim3A_118 = vector.shape_cast %reduce_sum3A_117 : vector<128xf32> to vector<128x1xf32>
      %add3A_119 = arith.addf %get3A_112, %broadcast_in_dim3A_118 : vector<128x1xf32>
      %swap3A_120 = arith.constant 0 : index
      %swap3A_121 = arith.constant 0 : index
      %swap3A_122 = vector.load %arg24[%swap3A_120, %swap3A_121] : memref<128x1xf32, #tpu.memory_space<vmem>>, vector<128x1xf32>
      tpu.vector_store %arg24[%swap3A_120, %swap3A_121], %add3A_119 {strides = array<i32>} : memref<128x1xf32, #tpu.memory_space<vmem>>, vector<128x1xf32>,
    } else {
    }
    %eq3A_22 = arith.constant 20 : i32
    %eq3A_23 = arith.cmpi eq, %arg0, %eq3A_22 : i32
    %convert_element_type3A_24 = arith.extui %eq3A_23 : i1 to i32
    %cond3A_25 = arith.constant 0 : i32
    %cond3A_26 = arith.cmpi ne, %convert_element_type3A_24, %cond3A_25 : i32
    scf.if %cond3A_26 {
      %get3A_27 = arith.constant 0 : index
      %get3A_28 = arith.constant 0 : index
      %get3A_29 = vector.load %arg6[%get3A_27, %get3A_28] : memref<128x1xf32, #tpu.memory_space<vmem>>, vector<128x1xf32>
      %sub3A = vector.broadcast %get3A_29 : vector<128x1xf32> to vector<128x2048xf32>
      %sub3A_30 = arith.subf %get3A_1, %sub3A : vector<128x2048xf32>
      %exp3A = math.exp %sub3A_30 : vector<128x2048xf32>
      %get3A_31 = arith.constant 0 : index
      %get3A_32 = arith.constant 0 : index
      %get3A_33 = vector.load %arg8[%get3A_31, %get3A_32] : memref<128x1xf32, #tpu.memory_space<vmem>>, vector<128x1xf32>
      %gt3A = vector.broadcast %get3A_33 : vector<128x1xf32> to vector<128x2048xf32>
      %gt3A_34 = arith.cmpf ogt, %get3A_1, %gt3A : vector<128x2048xf32>
      %get3A_35 = arith.constant 0 : index
      %get3A_36 = arith.constant 0 : index
      %get3A_37 = vector.load %arg9[%get3A_35, %get3A_36] : memref<128x1xf32, #tpu.memory_space<vmem>>, vector<128x1xf32>
      %ge3A_38 = vector.broadcast %get3A_37 : vector<128x1xf32> to vector<128x2048xf32>
      %ge3A_39 = arith.cmpf oge, %get3A_1, %ge3A_38 : vector<128x2048xf32>
      %and3A_40 = arith.andi %gt3A_34, %ge3A_39 : vector<128x2048xi1>
      %jit3A = arith.constant 0.000000e+00 : f32
      %broadcast_in_dim3A = vector.broadcast %jit3A : f32 to vector<128x2048xf32>
      %select_n3A = arith.select %and3A_40, %exp3A, %broadcast_in_dim3A : vector<128x2048xi1>, vector<128x2048xf32>
      %reduce_sum3A = arith.constant dense<0.000000e+00> : vector<128xf32>
      %reduce_sum3A_41 = vector.multi_reduction <add>, %select_n3A, %reduce_sum3A [1] : vector<128x2048xf32> to vector<128xf32>
      %broadcast_in_dim3A_42 = vector.shape_cast %reduce_sum3A_41 : vector<128xf32> to vector<128x1xf32>
      %eq3A_43 = arith.constant 0 : i32
      %eq3A_44 = arith.cmpi eq, %arg1, %eq3A_43 : i32
      %convert_element_type3A_45 = arith.extui %eq3A_44 : i1 to i32
      %cond3A_46 = arith.constant 0 : i32
      %cond3A_47 = arith.cmpi ne, %convert_element_type3A_45, %cond3A_46 : i32
      scf.if %cond3A_47 {
        %swap3A = arith.constant 0 : index
        %swap3A_53 = arith.constant 0 : index
        %swap3A_54 = vector.load %arg10[%swap3A, %swap3A_53] : memref<128x1xf32, #tpu.memory_space<vmem>>, vector<128x1xf32>
        tpu.vector_store %arg10[%swap3A, %swap3A_53], %broadcast_in_dim3A_42 {strides = array<i32>} : memref<128x1xf32, #tpu.memory_space<vmem>>, vector<128x1xf32>,
      } else {
      }
      %gt3A_48 = arith.constant 0 : i32
      %gt3A_49 = arith.cmpi sgt, %arg1, %gt3A_48 : i32
      %convert_element_type3A_50 = arith.extui %gt3A_49 : i1 to i32
      %cond3A_51 = arith.constant 0 : i32
      %cond3A_52 = arith.cmpi ne, %convert_element_type3A_50, %cond3A_51 : i32
      scf.if %cond3A_52 {
        %get3A_53 = arith.constant 0 : index
        %get3A_54 = arith.constant 0 : index
        %get3A_55 = vector.load %arg10[%get3A_53, %get3A_54] : memref<128x1xf32, #tpu.memory_space<vmem>>, vector<128x1xf32>
        %add3A = arith.addf %get3A_55, %broadcast_in_dim3A_42 : vector<128x1xf32>
        %swap3A = arith.constant 0 : index
        %swap3A_56 = arith.constant 0 : index
        %swap3A_57 = vector.load %arg10[%swap3A, %swap3A_56] : memref<128x1xf32, #tpu.memory_space<vmem>>, vector<128x1xf32>
        tpu.vector_store %arg10[%swap3A, %swap3A_56], %add3A {strides = array<i32>} : memref<128x1xf32, #tpu.memory_space<vmem>>, vector<128x1xf32>,
      } else {
      }
    } else {
    }
    return
  }
  func.func @transform_0(%arg0: i32, %arg1: i32) -> (i32, i32) {
    %c0_i32 = arith.constant 0 : i32
    %c0_i32_0 = arith.constant 0 : i32
    return %c0_i32, %arg1 : i32, i32
  }
  func.func @transform_1(%arg0: i32, %arg1: i32) -> (i32, i32) {
    %c0_i32 = arith.constant 0 : i32
    %c0_i32_0 = arith.constant 0 : i32
    %c0_i32_1 = arith.constant 0 : i32
    return %c0_i32, %c0_i32_0 : i32, i32
  }
  func.func @transform_2(%arg0: i32, %arg1: i32) -> (i32, i32) {
    %c0_i32 = arith.constant 0 : i32
    %c0_i32_0 = arith.constant 0 : i32
    %c0_i32_1 = arith.constant 0 : i32
    return %c0_i32, %c0_i32_0 : i32, i32
  }
  func.func @transform_3(%arg0: i32, %arg1: i32) -> (i32, i32) {
    %c0_i32 = arith.constant 0 : i32
    %c0_i32_0 = arith.constant 0 : i32
    %c0_i32_1 = arith.constant 0 : i32
    return %c0_i32, %c0_i32_0 : i32, i32
  }
  func.func @transform_4(%arg0: i32, %arg1: i32) -> (i32, i32) {
    %c0_i32 = arith.constant 0 : i32
    %c0_i32_0 = arith.constant 0 : i32
    %c0_i32_1 = arith.constant 0 : i32
    return %c0_i32, %c0_i32_0 : i32, i32
  }
  func.func @transform_5(%arg0: i32, %arg1: i32) -> (i32, i32) {
    %c0_i32 = arith.constant 0 : i32
    %c0_i32_0 = arith.constant 0 : i32
    %c0_i32_1 = arith.constant 0 : i32
    return %c0_i32, %c0_i32_0 : i32, i32
  }
  func.func @transform_6(%arg0: i32, %arg1: i32) -> (i32, i32) {
    %c0_i32 = arith.constant 0 : i32
    %c0_i32_0 = arith.constant 0 : i32
    %c0_i32_1 = arith.constant 0 : i32
    return %c0_i32, %c0_i32_0 : i32, i32
  }
  func.func @transform_7(%arg0: i32, %arg1: i32) -> (i32, i32) {
    %c0_i32 = arith.constant 0 : i32
    %c0_i32_0 = arith.constant 0 : i32
    %c0_i32_1 = arith.constant 0 : i32
    return %c0_i32, %c0_i32_0 : i32, i32
  }
  func.func @transform_8(%arg0: i32, %arg1: i32) -> (i32, i32) {
    %c0_i32 = arith.constant 0 : i32
    %c0_i32_0 = arith.constant 0 : i32
    %c0_i32_1 = arith.constant 0 : i32
    return %c0_i32, %c0_i32_0 : i32, i32
  }
}

module attributes {stable_mosaic.version = 14 : i64} {
  func.func @_write_body(%arg0: i32, %arg1: memref<128x2048xf32, #tpu.memory_space<vmem>>, %arg2: memref<128x1xf32, #tpu.memory_space<vmem>>, %arg3: memref<128x1xf32, #tpu.memory_space<vmem>>, %arg4: memref<128x1xf32, #tpu.memory_space<vmem>>, %arg5: memref<128x2048xf32, #tpu.memory_space<vmem>>) attributes {dimension_semantics = [#tpu.dimension_semantics<arbitrary>], iteration_bounds = array<i64: 49>, scalar_prefetch = 0 : i64, scratch_operands = 0 : i64, tpu.core_type = #tpu.core_type<tc>, window_params = [{transform_indices = @transform_0, window_bounds = array<i64: 128, 2048>}, {pipeline_mode = #tpu.pipeline_mode<synchronous>, transform_indices = @transform_1, window_bounds = array<i64: 128, 1>}, {pipeline_mode = #tpu.pipeline_mode<synchronous>, transform_indices = @transform_2, window_bounds = array<i64: 128, 1>}, {pipeline_mode = #tpu.pipeline_mode<synchronous>, transform_indices = @transform_3, window_bounds = array<i64: 128, 1>}, {transform_indices = @transform_4, window_bounds = array<i64: 128, 2048>}]} {
    %get3A = arith.constant 0 : index
    %get3A_0 = arith.constant 0 : index
    %get3A_1 = vector.load %arg1[%get3A, %get3A_0] : memref<128x2048xf32, #tpu.memory_space<vmem>>, vector<128x2048xf32>
    %get3A_2 = arith.constant 0 : index
    %get3A_3 = arith.constant 0 : index
    %get3A_4 = vector.load %arg2[%get3A_2, %get3A_3] : memref<128x1xf32, #tpu.memory_space<vmem>>, vector<128x1xf32>
    %gt3A = vector.broadcast %get3A_4 : vector<128x1xf32> to vector<128x2048xf32>
    %gt3A_5 = arith.cmpf ogt, %get3A_1, %gt3A : vector<128x2048xf32>
    %get3A_6 = arith.constant 0 : index
    %get3A_7 = arith.constant 0 : index
    %get3A_8 = vector.load %arg3[%get3A_6, %get3A_7] : memref<128x1xf32, #tpu.memory_space<vmem>>, vector<128x1xf32>
    %ge3A = vector.broadcast %get3A_8 : vector<128x1xf32> to vector<128x2048xf32>
    %ge3A_9 = arith.cmpf oge, %get3A_1, %ge3A : vector<128x2048xf32>
    %and3A = arith.andi %gt3A_5, %ge3A_9 : vector<128x2048xi1>
    %get3A_10 = arith.constant 0 : index
    %get3A_11 = arith.constant 0 : index
    %get3A_12 = vector.load %arg4[%get3A_10, %get3A_11] : memref<128x1xf32, #tpu.memory_space<vmem>>, vector<128x1xf32>
    %sub3A = vector.broadcast %get3A_12 : vector<128x1xf32> to vector<128x2048xf32>
    %sub3A_13 = arith.subf %get3A_1, %sub3A : vector<128x2048xf32>
    %sub3A_14 = arith.constant -1.000000e+09 : f32
    %sub3A_15 = vector.broadcast %sub3A_14 : f32 to vector<128x1xf32>
    %sub3A_16 = arith.subf %sub3A_15, %get3A_12 : vector<128x1xf32>
    %broadcast_in_dim3A = vector.shape_cast %sub3A_16 : vector<128x1xf32> to vector<128x1xf32>
    %broadcast_in_dim3A_17 = vector.broadcast %broadcast_in_dim3A : vector<128x1xf32> to vector<128x2048xf32>
    %select_n3A = arith.select %and3A, %sub3A_13, %broadcast_in_dim3A_17 : vector<128x2048xi1>, vector<128x2048xf32>
    %swap3A = arith.constant 0 : index
    %swap3A_18 = arith.constant 0 : index
    %swap3A_19 = vector.load %arg5[%swap3A, %swap3A_18] : memref<128x2048xf32, #tpu.memory_space<vmem>>, vector<128x2048xf32>
    tpu.vector_store %arg5[%swap3A, %swap3A_18], %select_n3A {strides = array<i32>} : memref<128x2048xf32, #tpu.memory_space<vmem>>, vector<128x2048xf32>,
    return
  }
  func.func @transform_0(%arg0: i32) -> (i32, i32) {
    %c0_i32 = arith.constant 0 : i32
    %c0_i32_0 = arith.constant 0 : i32
    return %c0_i32, %arg0 : i32, i32
  }
  func.func @transform_1(%arg0: i32) -> (i32, i32) {
    %c0_i32 = arith.constant 0 : i32
    %c0_i32_0 = arith.constant 0 : i32
    %c0_i32_1 = arith.constant 0 : i32
    return %c0_i32, %c0_i32_0 : i32, i32
  }
  func.func @transform_2(%arg0: i32) -> (i32, i32) {
    %c0_i32 = arith.constant 0 : i32
    %c0_i32_0 = arith.constant 0 : i32
    %c0_i32_1 = arith.constant 0 : i32
    return %c0_i32, %c0_i32_0 : i32, i32
  }
  func.func @transform_3(%arg0: i32) -> (i32, i32) {
    %c0_i32 = arith.constant 0 : i32
    %c0_i32_0 = arith.constant 0 : i32
    %c0_i32_1 = arith.constant 0 : i32
    return %c0_i32, %c0_i32_0 : i32, i32
  }
  func.func @transform_4(%arg0: i32) -> (i32, i32) {
    %c0_i32 = arith.constant 0 : i32
    %c0_i32_0 = arith.constant 0 : i32
    return %c0_i32, %arg0 : i32, i32
  }
}

</mosaic_0001>

<sc_bundles>
// kernel: kernel.6.cloned.1.call-start
scs
__scs_entry_jumppad:
0x0: {  	(pc) =	sbr.rel $0x88, $3  }
0x1: {  	(tag) =	ssettag $0x0;
	lr =	simm.s32 $0x1  }
0x2: {  	[smem:$0x3F96] =	sst lr;
	_ =	strace $0xD0000000  }
0x3: {  	_ = 	snop  }
0x4: {  	_ = 	snop  }
0x5: {  	_ = 	snop  }
0x6: {  	_ = 	snop  }
0x7: {  	_ = 	snop  }
__scs_overlays_trampoline_lowered:
0x8: {  	[smem:$0x3FA5] =	sst s0  }
0x9: {  	[smem:$0x3FA6] =	sst s1  }
0xa: {  	[smem:$0x3FA7] =	sst s2  }
0xb: {  	[smem:$0x3FA8] =	sst s3  }
0xc: {  	[smem:$0x3FA9] =	sst s4  }
0xd: {  	[smem:$0x3FAA] =	sst s5  }
0xe: {  	[smem:$0x3FAB] =	sst s6  }
0xf: {  	[smem:$0x3FAC] =	sst s7  }
0x10: {  	[smem:$0x3FAD] =	sst s8  }
0x11: {  	[smem:$0x3FAE] =	sst s9;
	s0 =	simm.s32 @!p0 $0x0  }
0x12: {  	s1 =	sld [smem:$0x3F94];
	s0 =	simm.s32 @p0 $0x1  }
0x13: {  	[smem:$0x3FAF] =	sst s0;
	s0 =	simm.s32 @!p1 $0x0  }
0x14: {  	s2 =	sld [smem:$0x3F93];
	s0 =	simm.s32 @p1 $0x1  }
0x15: {  	[smem:$0x3FB0] =	sst s0;
	s0 =	simm.s32 @!p2 $0x0  }
0x16: {  	s3 =	sld [smem:$0x3FDB];
	s0 =	simm.s32 @p2 $0x1  }
0x17: {  	s4 =	simm.s32 $0x1BF5;
	[smem:$0x3FB2] =	sst s0  }
0x18: {  	s0 =	sld [smem:$0x3F95];
	_ =	swait.ge [sflag:s4], $0x0  }
0x19: {  	s7 =	sld [smem:$0x3F96]  }
0x1a: {  	s8 =	sadd.s32 $0xFFFFE003, lr  }
0x1b: {  	s9 =	sadd.s32 $0xFFFFFEF7, lr;
	s5 =	simm.s32 $0xFFFFFFFF;
	p2 =	slt.u32 s8, $0xFFFFF086  }
0x1c: {  	p1 =	slt.u32 s9, $0xF7A;
	s5 =	simm.s32 @!p2 $0x0  }
0x1d: {  	s5 =	simm.s32 @p1 $0x1;
	p0 =	seq.s32 s7, s2  }
0x1e: {  	s7 =	smul.u32 @!p0 $0xF7A, s2;
	p2 =	seq.s32 @!p0 s5, $0x0  }
0x1f: {  	s9 =	smul.u32 $0xF7A, s1;
	s8 =	simm.s32 @!p0 $0x1BF5;
	p2 =	por !p2, p0  }
0x20: {  	[sflag:s8] =	ssyncset.s32 @!p0 $0xFFFFF086;
	s6 =	sadd.s32 @!p0 s3, s7;
	s7 =	simm.s32 @!p0 $0x108  }
0x21: {  	s3 =	sadd.s32 s3, s9;
	s6 =	sadd.s32 @!p0 $0x88, s6;
	s7 =	simm.s32 @p2 $0x1082  }
0x22: {  	[simem:s7], [sflag:s8] =	dma.local @!p0 [hbm:s6], $0xF7A  }
0x23: {  	s9 =	sor.u32 $0xD0000000, s2;
	s6 =	simm.s32 $0x108;
	_ =	swait.ge @!p0 [sflag:s8], $0x0  }
0x24: {  	s3 =	sadd.s32 $0x88, s3;
	s6 =	simm.s32 @!p1 $0x1082;
	[sflag:s4] =	ssyncset.s32 $0xFFFFF086  }
0x25: {  	[simem:s6], [sflag:s4] =	dma.local [hbm:s3], $0xF7A  }
0x26: {  	[smem:$0x3F96] =	sst s1;
	(tag) =	ssettag s2;
	_ =	strace s9  }
0x27: {  	s1 =	sld [smem:$0x3FA6]  }
0x28: {  	s2 =	sld [smem:$0x3FA7]  }
0x29: {  	s4 =	sld [smem:$0x3FA9]  }
0x2a: {  	p0 =	seq.s32 s5, $0x0;
	s5 =	sld [smem:$0x3FAA]  }
0x2b: {  	s6 =	sld [smem:$0x3FAB]  }
0x2c: {  	s7 =	sld [smem:$0x3FAC]  }
0x2d: {  	s3 =	simm.s32 $0x108;
	s8 =	sld [smem:$0x3FAD]  }
0x2e: {  	s3 =	simm.s32 @!p0 $0x1082;
	s9 =	sld [smem:$0x3FAE]  }
0x2f: {  	lr =	sadd.s32 s0, s3;
	s0 =	sld [smem:$0x3FA5]  }
0x30: {  	s3 =	sld [smem:$0x3FA8]  }
0x31: {  	[smem:$0x3FB1] =	sst s10  }
0x32: {  	s10 =	sld [smem:$0x3FAF];
	_ =	sdelay $0x3  }
0x33: {  	p0 =	seq.s32 s10, $0x1;
	s10 =	sld [smem:$0x3FB1];
	_ =	sdelay $0x3  }
0x34: {  	[smem:$0x3FB1] =	sst s10  }
0x35: {  	s10 =	sld [smem:$0x3FB0];
	_ =	sdelay $0x3  }
0x36: {  	p1 =	seq.s32 s10, $0x1;
	s10 =	sld [smem:$0x3FB1];
	_ =	sdelay $0x3  }
0x37: {  	[smem:$0x3FB1] =	sst s10  }
0x38: {  	s10 =	sld [smem:$0x3FB2]  }
0x39: {  	_ = 	snop;
	(pc) =	sbr.ind lr, $3  }
0x3a: {  	_ = 	snop  }
0x3b: {  	_ = 	snop  }
0x3c: {  	p2 =	seq.s32 s10, $0x1;
	s10 =	sld [smem:$0x3FB1]  }
0x3d: {  	_ =	shalt  }
0x3e: {  	_ =	shalt  }
0x3f: {  	_ =	shalt  }
0x40: {  	_ =	shalt  }
0x41: {  	_ =	shalt  }
0x42: {  	_ =	shalt  }
0x43: {  	_ =	shalt  }
0x44: {  	_ =	shalt  }
0x45: {  	_ =	shalt  }
0x46: {  	_ =	shalt  }
0x47: {  	_ =	shalt  }
0x48: {  	_ =	shalt  }
0x49: {  	_ =	shalt  }
0x4a: {  	_ =	shalt  }
0x4b: {  	_ =	shalt  }
0x4c: {  	_ =	shalt  }
0x4d: {  	_ =	shalt  }
0x4e: {  	_ =	shalt  }
0x4f: {  	_ =	shalt  }
0x50: {  	_ =	shalt  }
0x51: {  	_ =	shalt  }
0x52: {  	_ =	shalt  }
0x53: {  	_ =	shalt  }
0x54: {  	_ =	shalt  }
0x55: {  	_ =	shalt  }
0x56: {  	_ =	shalt  }
0x57: {  	_ =	shalt  }
0x58: {  	_ =	shalt  }
0x59: {  	_ =	shalt  }
0x5a: {  	_ =	shalt  }
0x5b: {  	_ =	shalt  }
0x5c: {  	_ =	shalt  }
0x5d: {  	_ =	shalt  }
0x5e: {  	_ =	shalt  }
0x5f: {  	_ =	shalt  }
0x60: {  	_ =	shalt  }
0x61: {  	_ =	shalt  }
0x62: {  	_ =	shalt  }
0x63: {  	_ =	shalt  }
0x64: {  	_ =	shalt  }
0x65: {  	_ =	shalt  }
0x66: {  	_ =	shalt  }
0x67: {  	_ =	shalt  }
0x68: {  	_ =	shalt  }
0x69: {  	_ =	shalt  }
0x6a: {  	_ =	shalt  }
0x6b: {  	_ =	shalt  }
0x6c: {  	_ =	shalt  }
0x6d: {  	_ =	shalt  }
0x6e: {  	_ =	shalt  }
0x6f: {  	_ =	shalt  }
0x70: {  	_ =	shalt  }
0x71: {  	_ =	shalt  }
0x72: {  	_ =	shalt  }
0x73: {  	_ =	shalt  }
0x74: {  	_ =	shalt  }
0x75: {  	_ =	shalt  }
0x76: {  	_ =	shalt  }
0x77: {  	_ =	shalt  }
0x78: {  	_ =	shalt  }
0x79: {  	_ =	shalt  }
0x7a: {  	_ =	shalt  }
0x7b: {  	_ =	shalt  }
0x7c: {  	_ =	shalt  }
0x7d: {  	_ =	shalt  }
0x7e: {  	_ =	shalt  }
0x7f: {  	_ =	shalt  }
0x80: {  	_ =	shalt  }
0x81: {  	_ =	shalt  }
0x82: {  	_ =	shalt  }
0x83: {  	_ =	shalt  }
0x84: {  	_ =	shalt  }
0x85: {  	_ =	shalt  }
0x86: {  	_ =	shalt  }
0x87: {  	_ =	shalt  }
.Lfunc_end0:
.L_simem_size_0:
called_computation.1_lowered:
.L_overlay_start_0:
0x88: {  	s2 =	sld [smem:$0x3FD9]  }
0x89: {  	s3 =	sld [smem:$0x3FFE];
	_ =	sdelay $0x1  }
0x8a: {  	s1 =	srdreg.scid  }
0x8b: {  	s0 =	sand.u32 $0x1, s1  }
0x8c: {  	s14 =	sshll.u32 s0, $0xA;
	s2 =	sadd.s32 s3, s2  }
0x8d: {  	s2 =	sadd.s32 s2, s14  }
0x8e: {  	[smem:$0x3FBD] =	sst s2  }
0x8f: {  	_ = 	snop  }
0x90: {  	s2 =	sld [smem:$0x3FD0];
	_ =	sdelay $0x2  }
0x91: {  	s15 =	simm.s32 $0xA;
	s4 =	simm.s32 $0x10  }
0x92: {  	[smem:s4], [sflag:s15] =	dma.local [hbm:s2], $0x1  }
0x93: {  	_ =	swait.eq [sflag:s15], $0x1  }
0x94: {  	[sflag:s15] =	ssyncset.done $0x0  }
0x95: {  	[sflag:s15] =	ssyncadd.s32 $0xFFFFFFFF  }
0x96: {  	s16 =	sld [smem:$0x11];
	(tm) =	ssettm $0x1  }
0x97: {  	s17 =	sld [smem:$0x3FFB];
	_ =	sdelay $0x3  }
0x98: {  	_ =	strace s17  }
0x99: {  	s3 =	sld [smem:$0x3FFC];
	_ =	sdelay $0x3  }
0x9a: {  	_ =	strace s3  }
0x9b: {  	s3 =	sld [smem:$0x3FFD];
	_ =	sdelay $0x3  }
0x9c: {  	_ =	strace s3  }
0x9d: {  	_ =	strace $0x8FFFFFFF  }
0x9e: {  	s18 =	sld [smem:$0x3FDB];
	_ =	sdelay $0x1  }
0x9f: {  	s19 =	simm.s32 $_scs_section_size  }
0xa0: {  	s5 =	simm.s32 $_size__tile_overlayer_lowered;
	s6 =	simm.s32 $_tile_overlayer_lowered  }
0xa1: {  	s22 =	simm.s32 $0x1BFF;
	s21 =	sshll.u32 s6, $0x1;
	s3 =	sadd.s32 s19, s18  }
0xa2: {  	s7 =	simm.s32 $0x0;
	s20 =	sshll.u32 s5, $0x1;
	s5 =	sadd.s32 s21, s3  }
0xa3: {  	[timem:s7], [sflag:s22] =	dma.local [hbm:s5], s20  }
0xa4: {  	_ =	swait.ge [sflag:s22], s20  }
0xa5: {  	s4 =	ssub.s32 $0x0, s20;
	[sflag:s22] =	ssyncset.done $0x0  }
0xa6: {  	[sflag:s22] =	ssyncadd.s32 s4;
	_ =	sdelay $0x1  }
0xa7: {  	s23 =	simm.s32 $0x1B8B  }
0xa8: {  	_ =	swait.ge [sflag:s23], $0x1  }
0xa9: {  	[sflag:s23] =	ssyncset.done $0x0  }
0xaa: {  	s25 =	simm.s32 $0x1B8E;
	s24 =	sld [smem:$0x3FFE];
	[sflag:s23] =	ssyncadd.s32 $0xFFFFFFFF  }
0xab: {  	s26 =	simm.s32 $execute0_lowered;
	[smem:$0x3FD2] =	sst s25  }
0xac: {  	s5 =	sshll.u32 s26, $0x1;
	_ =	strace $0x80000049;
	[dreg:$0x1] =	wrdreg $0xFFFFFFFF  }
0xad: {  	s28 =	simm.s32 $_size_execute0_lowered;
	s3 =	sadd.s32 s3, s5;
	[dreg:$0x0] =	wrdreg $0x0  }
0xae: {  	s5 =	sshll.u32 s28, $0x1;
	[dreg:$0x2] =	wrdreg s3  }
0xaf: {  	[dreg:$0x3] =	wrdreg s5  }
0xb0: {  	[dreg:$0x4] =	wrdreg $0xC0  }
0xb1: {  	_ =	task [dreg:s7], $0x5FFFF  }
0xb2: {  	[dreg:$0x1] =	wrdreg $0xFFFFFFFF  }
0xb3: {  	[dreg:$0x0] =	wrdreg $0x60  }
0xb4: {  	[dreg:$0x2] =	wrdreg s24  }
0xb5: {  	[dreg:$0x3] =	wrdreg s16  }
0xb6: {  	[dreg:$0x4] =	wrdreg $0x9  }
0xb7: {  	_ =	task.clear_ibuf [dreg:s7], $0x5FFFF;
	_ =	strace $0x90000049  }
0xb8: {  	s29 =	simm.s32 $0x9;
	_ =	strace $0x8000004B  }
0xb9: {  	_ =	swait.ge [sflag:s29], $0x1  }
0xba: {  	[sflag:s29] =	ssyncadd.s32 $0xFFFFFFFF  }
0xbb: {  	_ =	strace $0x9000004B  }
0xbc: {  	_ =	sfence  }
0xbd: {  	s30 =	sld [smem:$0x0];
	_ =	sdelay $0x2  }
0xbe: {  	s31 =	sshll.u32 s1, $0xD;
	s1 =	sshrl.u32 s1, $0x2  }
0xbf: {  	s3 =	sand.u32 $0x4000, s31;
	s1 =	sadd.s32 s1, s30  }
0xc0: {  	s0 =	sor.u32 s3, s0;
	s1 =	sshll.u32 s1, $0x11  }
0xc1: {  	s0 =	sor.u32 s1, s0  }
0xc2: {  	s0 =	sadd.s32 $0x8F2B, s0  }
0xc3: {  	[sflag:s0] =	ssyncadd.remote.s32 $0x1  }
0xc4: {  	_ =	sfence.sel $0xFFFF  }
0xc5: {  	[dreg:$0x0] =	wrdreg $0xFFFFFFFF;
	(pc) =	sbr.abs _section_cstart, $3  }
0xc6: {  	[dreg:$0x1] =	wrdreg $0xFFFFFFFF  }
0xc7: {  	_ =	task.clear_ibuf [dreg:s7], $0x2FFFF;
	_ =	strace $0x9FFFFFFF  }
0xc8: {  	(tm) =	ssettm $0x7FFFFFFF  }
0xc9: {  	_ =	shalt  }
tec
execute0_lowered:
.L_overlay_start_1:
0x0: {  	(tag) =	ssettag $0x1  }
0x1: {  	s0 =	rddreg [dreg:$0x0]  }
0x2: {  	s1 =	rddreg [dreg:$0x1]  }
0x3: {  	s2 =	srdreg.scid;
	s4 =	stileid.u32  }
0x4: {  	s9 =	simm.s32 $0x2;
	s13 =	simm.s32 $0x50;
	s14 =	simm.s32 $0x800  }
0x5: {  	s15 =	simm.s32 $0x1;
	s16 =	simm.s32 $0x80;
	s17 =	simm.s32 $0x880  }
0x6: {  	s18 =	simm.s32 $0x100;
	s19 =	simm.s32 $0x900;
	s20 =	simm.s32 $0x180  }
0x7: {  	s21 =	simm.s32 $0x980;
	s22 =	simm.s32 $0x200;
	s23 =	simm.s32 $0xA00  }
0x8: {  	s28 =	simm.s32 $0xB00;
	s29 =	simm.s32 $0x380;
	s30 =	simm.s32 $0xB80  }
0x9: {  	s31 =	simm.s32 $0x400;
	s10 =	simm.s32 $0xC80;
	s11 =	simm.s32 $0x0  }
0xa: {  	s3 =	sand.u32 $0x1, s2;
	s2 =	simm.s32 $0x0;
	s4 =	sshll.u32 s4, $0x9  }
0xb: {  	s5 =	sshll.u32 s3, $0x8;
	[smem:$0x7FF] =	sst s2;
	s24 =	ssub.s32 $0x2, s3  }
0xc: {  	s3 =	sadd.s32 $0x188A00, s0;
	s4 =	sor.u32 s5, s4;
	s6 =	sshrl.u32 s24, $0x1  }
0xd: {  	_ =	strace $0x8000004A;
	s7 =	sadd.s32 s4, s0;
	s25 =	ssub.s32 s24, s6  }
0xe: {  	s1 =	sadd.s32 s1, s4;
	s24 =	simm.s32 $0x280;
	s0 =	simm.s32 $0xC00  }
0xf: {  	s26 =	sadd.s32 $0x312A00, s7;
	[dreg:$0x4] =	wrdreg s1;
	s6 =	sadd.s32 $0x314A00, s7  }
0x10: {  	s7 =	sadd.s32 $0x310A00, s7;
	s8 =	smax.u32 s25, $0x1;
	s25 =	simm.s32 $0xA80  }
0x11: {  	s1 =	simm.s32 $0x480;
	[dreg:$0x3] =	wrdreg s26;
	s26 =	simm.s32 $0x300  }
.LBB2_1:
0x12: {  	s4 =	rddreg [dreg:$0x4]  }
0x13: {  	[tilespmem:s2], [sflag:$0x2] =	stream.linear.gather [hbm4b:s4+s2], $0x500, $0x38;
	[tilespmem:$0x2800] =	vst v63  }
0x14: {  	_ =	swait.ge [sflag:s9], $0x500  }
0x15: {  	[sflag:s9] =	ssyncset.done $0x0  }
0x16: {  	s5 =	simm.s32 $0x1000;
	s12 =	rddreg [dreg:$0x3];
	[sflag:s9] =	ssyncadd.s32 $0xFFFFFB00  }
0x17: {  	[tilespmem:s5], [sflag:$0x2] =	stream.linear.gather [hbm4b:s12+s2], $0x500, $0x38;
	[tilespmem:$0x2800] =	vst v63  }
0x18: {  	_ =	swait.ge [sflag:s9], $0x500  }
0x19: {  	[sflag:s9] =	ssyncset.done $0x0  }
0x1a: {  	s5 =	simm.s32 $0x1800;
	[sflag:s9] =	ssyncadd.s32 $0xFFFFFB00  }
0x1b: {  	[tilespmem:s5], [sflag:$0x2] =	stream.linear.gather [hbm4b:s6+s2], $0x500, $0x38;
	[tilespmem:$0x2800] =	vst v63  }
0x1c: {  	_ =	swait.ge [sflag:s9], $0x500  }
0x1d: {  	[sflag:s9] =	ssyncset.done $0x0  }
0x1e: {  	s12 =	simm.s32 $0x2000;
	[sflag:s9] =	ssyncadd.s32 $0xFFFFFB00  }
0x1f: {  	[tilespmem:s12], [sflag:$0x2] =	stream.linear.gather [hbm4b:s7+s2], $0x500, $0x38;
	[tilespmem:$0x2800] =	vst v63  }
0x20: {  	_ =	swait.ge [sflag:s9], $0x500  }
0x21: {  	[sflag:s9] =	ssyncset.done $0x0  }
0x22: {  	[sflag:s9] =	ssyncadd.s32 $0xFFFFFB00  }
0x23: {  	[tilespmem:s14], [sflag:$0x1] =	stream.indirect.gather [hbm4b:s3+s13], $0x1, s2, s13, $0xb8;
	[tilespmem:$0x2800] =	vst v63  }
0x24: {  	_ =	swait.ge [sflag:s15], $0x50  }
0x25: {  	[sflag:s15] =	ssyncset.done $0x0  }
0x26: {  	[sflag:s15] =	ssyncadd.s32 $0xFFFFFFB0  }
0x27: {  	[tilespmem:s17], [sflag:$0x1] =	stream.indirect.gather [hbm4b:s3+s13], $0x1, s16, s13, $0xb8;
	[tilespmem:$0x2800] =	vst v63  }
0x28: {  	_ =	swait.ge [sflag:s15], $0x50  }
0x29: {  	[sflag:s15] =	ssyncset.done $0x0  }
0x2a: {  	[sflag:s15] =	ssyncadd.s32 $0xFFFFFFB0  }
0x2b: {  	[tilespmem:s19], [sflag:$0x1] =	stream.indirect.gather [hbm4b:s3+s13], $0x1, s18, s13, $0xb8;
	[tilespmem:$0x2800] =	vst v63  }
0x2c: {  	_ =	swait.ge [sflag:s15], $0x50  }
0x2d: {  	[sflag:s15] =	ssyncset.done $0x0  }
0x2e: {  	[sflag:s15] =	ssyncadd.s32 $0xFFFFFFB0  }
0x2f: {  	[tilespmem:s21], [sflag:$0x1] =	stream.indirect.gather [hbm4b:s3+s13], $0x1, s20, s13, $0xb8;
	[tilespmem:$0x2800] =	vst v63  }
0x30: {  	_ =	swait.ge [sflag:s15], $0x50  }
0x31: {  	[sflag:s15] =	ssyncset.done $0x0  }
0x32: {  	[sflag:s15] =	ssyncadd.s32 $0xFFFFFFB0  }
0x33: {  	[tilespmem:s23], [sflag:$0x1] =	stream.indirect.gather [hbm4b:s3+s13], $0x1, s22, s13, $0xb8;
	[tilespmem:$0x2800] =	vst v63  }
0x34: {  	_ =	swait.ge [sflag:s15], $0x50  }
0x35: {  	[sflag:s15] =	ssyncset.done $0x0  }
0x36: {  	[sflag:s15] =	ssyncadd.s32 $0xFFFFFFB0  }
0x37: {  	[tilespmem:s25], [sflag:$0x1] =	stream.indirect.gather [hbm4b:s3+s13], $0x1, s24, s13, $0xb8;
	[tilespmem:$0x2800] =	vst v63  }
0x38: {  	_ =	swait.ge [sflag:s15], $0x50  }
0x39: {  	[sflag:s15] =	ssyncset.done $0x0  }
0x3a: {  	[sflag:s15] =	ssyncadd.s32 $0xFFFFFFB0  }
0x3b: {  	[tilespmem:s28], [sflag:$0x1] =	stream.indirect.gather [hbm4b:s3+s13], $0x1, s26, s13, $0xb8;
	[tilespmem:$0x2800] =	vst v63  }
0x3c: {  	_ =	swait.ge [sflag:s15], $0x50  }
0x3d: {  	[sflag:s15] =	ssyncset.done $0x0  }
0x3e: {  	[sflag:s15] =	ssyncadd.s32 $0xFFFFFFB0  }
0x3f: {  	[tilespmem:s30], [sflag:$0x1] =	stream.indirect.gather [hbm4b:s3+s13], $0x1, s29, s13, $0xb8;
	[tilespmem:$0x2800] =	vst v63  }
0x40: {  	_ =	swait.ge [sflag:s15], $0x50  }
0x41: {  	[sflag:s15] =	ssyncset.done $0x0  }
0x42: {  	[sflag:s15] =	ssyncadd.s32 $0xFFFFFFB0  }
0x43: {  	[tilespmem:s0], [sflag:$0x1] =	stream.indirect.gather [hbm4b:s3+s13], $0x1, s31, s13, $0xb8;
	[tilespmem:$0x2800] =	vst v63  }
0x44: {  	_ =	swait.ge [sflag:s15], $0x50  }
0x45: {  	[sflag:s15] =	ssyncset.done $0x0  }
0x46: {  	[sflag:s15] =	ssyncadd.s32 $0xFFFFFFB0  }
0x47: {  	[tilespmem:s10], [sflag:$0x1] =	stream.indirect.gather [hbm4b:s3+s13], $0x1, s1, s13, $0xb8;
	[tilespmem:$0x2800] =	vst v63  }
0x48: {  	_ =	swait.ge [sflag:s15], $0x50  }
0x49: {  	[sflag:s15] =	ssyncset.done $0x0  }
0x4a: {  	s12 =	simm.s32 $0x0;
	[sflag:s15] =	ssyncadd.s32 $0xFFFFFFB0  }
0x4b: {  	v1 =	vld [tilespmem:s12+$0x2000]  }
0x4c: {  	v0 =	vld [tilespmem:s12+$0x2010]  }
0x4d: {  	v9 =	vld [tilespmem:s12+$0x1000]  }
0x4e: {  	v11 =	vld [tilespmem:s12+$0x1800]  }
0x4f: {  	v5 =	vld [tilespmem:s12+$0x1010]  }
0x50: {  	v8 =	vld [tilespmem:s12+$0x1810]  }
0x51: {  	v4 =	vld [tilespmem:s12+$0x1020]  }
0x52: {  	v7 =	vld [tilespmem:s12+$0x1820]  }
0x53: {  	v3 =	vld [tilespmem:s12+$0x1030]  }
0x54: {  	v14 =	vld [tilespmem:s12+$0x800]  }
0x55: {  	v6 =	vld [tilespmem:s12+$0x1830]  }
0x56: {  	v2 =	vld [tilespmem:s12+$0x1040]  }
0x57: {  	v13 =	vld [tilespmem:s12+$0x810]  }
0x58: {  	v12 =	vld [tilespmem:s12+$0x820]  }
0x59: {  	s4 =	simm.s32 $0x200;
	v10 =	vld [tilespmem:s12+$0x830];
	vm0 =	vgt.f32 v14, $0.0e+00  }
.LBB2_2:
0x5a: {  	p0 =	sne.s32 s4, $0x1200;
	v9 =	vsel vm0, v9, v11;
	v11 =	vld [tilespmem:s12+$0x840]  }
0x5b: {  	v9 =	vmul.f32 v9, v14;
	v14 =	vld [tilespmem:s12+$0x1840]  }
0x5c: {  	vm0 =	vgt.f32 v13, $0.0e+00;
	v15 =	vld [tilespmem:s12+$0x2020]  }
0x5d: {  	v16 =	vsub.f32 v9, v1;
	v1 =	vsel vm0, v5, v8;
	vm0 =	vgt.f32 v12, $0.0e+00;
	v5 =	vld [tilespmem:s12+$0x2030]  }
0x5e: {  	s5 =	sshra.s32 s4, $0x2;
	v8 =	vmul.f32 v1, v13;
	v4 =	vsel vm0, v4, v7;
	vm0 =	vgt.f32 v10, $0.0e+00;
	v7 =	vld [tilespmem:s12+$0x2040]  }
0x5f: {  	v1 =	vld [tilespmem:s5+$0x2000];
	v4 =	vmul.f32 v4, v12;
	v3 =	vsel vm0, v3, v6;
	vm0 =	vgt.f32 v11, $0.0e+00  }
0x60: {  	v6 =	vsub.f32 v8, v0;
	v0 =	vld [tilespmem:s5+$0x2010];
	v3 =	vmul.f32 v3, v10;
	v2 =	vsel vm0, v2, v14  }
0x61: {  	v9 =	vld [tilespmem:s5+$0x1000];
	[tilespmem:s12+$0x800] =	vst v16;
	v4 =	vsub.f32 v4, v15;
	v2 =	vmul.f32 v2, v11  }
0x62: {  	v11 =	vld [tilespmem:s5+$0x1800];
	[tilespmem:s12+$0x810] =	vst v6;
	v3 =	vsub.f32 v3, v5  }
0x63: {  	v5 =	vld [tilespmem:s5+$0x1010];
	[tilespmem:s12+$0x820] =	vst v4;
	v2 =	vsub.f32 v2, v7  }
0x64: {  	v8 =	vld [tilespmem:s5+$0x1810];
	[tilespmem:s12+$0x830] =	vst v3  }
0x65: {  	v4 =	vld [tilespmem:s5+$0x1020];
	[tilespmem:s12+$0x840] =	vst v2;
	s12 =	smov.u32 s5  }
0x66: {  	v7 =	vld [tilespmem:s12+$0x1820]  }
0x67: {  	v3 =	vld [tilespmem:s12+$0x1030]  }
0x68: {  	v14 =	vld [tilespmem:s12+$0x800]  }
.Ltmp0:
0x69: {  	v6 =	vld [tilespmem:s12+$0x1830];
	(pc) =	sbr.rel @p0 .LBB2_2-.Ltmp0, $4  }
0x6a: {  	v2 =	vld [tilespmem:s12+$0x1040]  }
0x6b: {  	v13 =	vld [tilespmem:s12+$0x810]  }
0x6c: {  	v12 =	vld [tilespmem:s12+$0x820]  }
0x6d: {  	s4 =	sadd.s32 $0x200, s4;
	vm0 =	vgt.f32 v14, $0.0e+00;
	v10 =	vld [tilespmem:s12+$0x830]  }
0x6e: {  	v9 =	vsel vm0, v9, v11;
	v57 =	vld [tilespmem:s12+$0x840]  }
0x6f: {  	v58 =	vld [tilespmem:s12+$0x1840];
	v9 =	vmul.f32 v9, v14  }
0x70: {  	v15 =	vld [tilespmem:s12+$0x2020];
	vm12 =	vgt.f32 v13, $0.0e+00  }
0x71: {  	v59 =	vld [tilespmem:s12+$0x2030];
	v1 =	vsub.f32 v9, v1;
	v5 =	vsel vm12, v5, v8;
	vm13 =	vgt.f32 v12, $0.0e+00  }
0x72: {  	v60 =	vld [tilespmem:s12+$0x2040];
	v5 =	vmul.f32 v5, v13;
	v4 =	vsel vm13, v4, v7;
	vm14 =	vgt.f32 v10, $0.0e+00  }
0x73: {  	v4 =	vmul.f32 v4, v12;
	v3 =	vsel vm14, v3, v6;
	vm15 =	vgt.f32 v57, $0.0e+00  }
0x74: {  	v0 =	vsub.f32 v5, v0;
	v3 =	vmul.f32 v3, v10;
	v2 =	vsel vm15, v2, v58  }
0x75: {  	[tilespmem:s12+$0x800] =	vst v1;
	v61 =	vsub.f32 v4, v15;
	v2 =	vmul.f32 v2, v57  }
0x76: {  	[tilespmem:s12+$0x810] =	vst v0;
	v62 =	vsub.f32 v3, v59  }
0x77: {  	[tilespmem:s12+$0x820] =	vst v61;
	v63 =	vsub.f32 v2, v60  }
0x78: {  	[tilespmem:s12+$0x830] =	vst v62  }
0x79: {  	[tilespmem:s12+$0x840] =	vst v63  }
0x7a: {  	[hbm4b:s3+s13] =	stream.indirect.scatter [tilespmem:s14], [sflag:$0x1], $0x1, s2, s13, $0xb8;
	[tilespmem:$0x2800] =	vst v63  }
0x7b: {  	_ =	swait.ge [sflag:s15], $0x50  }
0x7c: {  	[sflag:s15] =	ssyncset.done $0x0  }
0x7d: {  	[sflag:s15] =	ssyncadd.s32 $0xFFFFFFB0  }
0x7e: {  	[hbm4b:s3+s13] =	stream.indirect.scatter [tilespmem:s17], [sflag:$0x1], $0x1, s16, s13, $0xb8;
	[tilespmem:$0x2800] =	vst v63  }
0x7f: {  	_ =	swait.ge [sflag:s15], $0x50  }
0x80: {  	[sflag:s15] =	ssyncset.done $0x0  }
0x81: {  	[sflag:s15] =	ssyncadd.s32 $0xFFFFFFB0  }
0x82: {  	[hbm4b:s3+s13] =	stream.indirect.scatter [tilespmem:s19], [sflag:$0x1], $0x1, s18, s13, $0xb8;
	[tilespmem:$0x2800] =	vst v63  }
0x83: {  	_ =	swait.ge [sflag:s15], $0x50  }
0x84: {  	[sflag:s15] =	ssyncset.done $0x0  }
0x85: {  	[sflag:s15] =	ssyncadd.s32 $0xFFFFFFB0  }
0x86: {  	[hbm4b:s3+s13] =	stream.indirect.scatter [tilespmem:s21], [sflag:$0x1], $0x1, s20, s13, $0xb8;
	[tilespmem:$0x2800] =	vst v63  }
0x87: {  	_ =	swait.ge [sflag:s15], $0x50  }
0x88: {  	[sflag:s15] =	ssyncset.done $0x0  }
0x89: {  	[sflag:s15] =	ssyncadd.s32 $0xFFFFFFB0  }
0x8a: {  	[hbm4b:s3+s13] =	stream.indirect.scatter [tilespmem:s23], [sflag:$0x1], $0x1, s22, s13, $0xb8;
	[tilespmem:$0x2800] =	vst v63  }
0x8b: {  	_ =	swait.ge [sflag:s15], $0x50  }
0x8c: {  	[sflag:s15] =	ssyncset.done $0x0  }
0x8d: {  	[sflag:s15] =	ssyncadd.s32 $0xFFFFFFB0  }
0x8e: {  	[hbm4b:s3+s13] =	stream.indirect.scatter [tilespmem:s25], [sflag:$0x1], $0x1, s24, s13, $0xb8;
	[tilespmem:$0x2800] =	vst v63  }
0x8f: {  	_ =	swait.ge [sflag:s15], $0x50  }
0x90: {  	[sflag:s15] =	ssyncset.done $0x0  }
0x91: {  	[sflag:s15] =	ssyncadd.s32 $0xFFFFFFB0  }
0x92: {  	[hbm4b:s3+s13] =	stream.indirect.scatter [tilespmem:s28], [sflag:$0x1], $0x1, s26, s13, $0xb8;
	[tilespmem:$0x2800] =	vst v63  }
0x93: {  	_ =	swait.ge [sflag:s15], $0x50  }
0x94: {  	[sflag:s15] =	ssyncset.done $0x0  }
0x95: {  	[sflag:s15] =	ssyncadd.s32 $0xFFFFFFB0  }
0x96: {  	[hbm4b:s3+s13] =	stream.indirect.scatter [tilespmem:s30], [sflag:$0x1], $0x1, s29, s13, $0xb8;
	[tilespmem:$0x2800] =	vst v63  }
0x97: {  	_ =	swait.ge [sflag:s15], $0x50  }
0x98: {  	[sflag:s15] =	ssyncset.done $0x0  }
0x99: {  	[sflag:s15] =	ssyncadd.s32 $0xFFFFFFB0  }
0x9a: {  	[hbm4b:s3+s13] =	stream.indirect.scatter [tilespmem:s0], [sflag:$0x1], $0x1, s31, s13, $0xb8;
	[tilespmem:$0x2800] =	vst v63  }
0x9b: {  	s11 =	sadd.s32 $0x1, s11;
	_ =	swait.ge [sflag:s15], $0x50  }
0x9c: {  	p0 =	sne.s32 s11, s8;
	[sflag:s15] =	ssyncset.done $0x0  }
.Ltmp1:
0x9d: {  	[sflag:s15] =	ssyncadd.s32 $0xFFFFFFB0;
	(pc) =	sbr.rel @p0 .LBB2_1-.Ltmp1, $4  }
0x9e: {  	[hbm4b:s3+s13] =	stream.indirect.scatter [tilespmem:s10], [sflag:$0x1], $0x1, s1, s13, $0xb8;
	[tilespmem:$0x2800] =	vst v63  }
0x9f: {  	_ =	swait.ge [sflag:s15], $0x50  }
0xa0: {  	[sflag:s15] =	ssyncset.done $0x0  }
0xa1: {  	[sflag:s15] =	ssyncadd.s32 $0xFFFFFFB0  }
0xa2: {  	_ =	sfence.sel $0x180000  }
0xa3: {  	[bflag:$0x0] =	sbarrier.arrive $0xFFFF  }
0xa4: {  	_ =	strace $0x9000004A  }
0xa5: {  	s0 =	stileid.u32;
	[bflag:$0x2] =	sbarrier.arrive $0xFFFF  }
0xa6: {  	p0 =	sne.s32 s0, $0x0;
	s0 =	rddreg [dreg:$0x2]  }
0xa7: {  	s0 =	sadd.s32 @!p0 $0x100000, s0  }
0xa8: {  	[sflag:s0] =	ssyncadd.tile.s32 @!p0 $0x1;
	_ =	shalt  }
.Lfunc_end2:
_tile_overlayer_lowered:
.L_overlay_start_2:
0xa9: {  	(tag) =	ssettag $0x2  }
0xaa: {  	s0 =	rddreg [dreg:$0x0];
	s2 =	stileid.u32  }
0xab: {  	s1 =	rddreg [dreg:$0x1];
	p0 =	sne.s32 s2, $0x0  }
0xac: {  	s3 =	rddreg [dreg:$0x2];
	[bflag:$0x3] =	sbarrier.arrive $0xFFFF;
	s2 =	simm.s32 @!p0 $0x1C02  }
0xad: {  	[timem:s3], [sflag:s2] =	dma.local @!p0 [hbm:s0], s1  }
0xae: {  	s0 =	simm.s32 @!p0 $0x2  }
0xaf: {  	_ =	swait.ge @!p0 [sflag:s0], s1  }
0xb0: {  	s1 =	ssub.s32 @!p0 $0x0, s1;
	[sflag:s0] =	ssyncset.done @!p0 $0x0  }
0xb1: {  	[sflag:s0] =	ssyncadd.s32 @!p0 s1  }
0xb2: {  	[bflag:$0x3] =	sbarrier.arrive $0xFFFF  }
0xb3: {  	_ =	shalt  }

// kernel: sparse-core-data-format-call.cloned.1.call-start
scs
called_computation_lowered:
.L_overlay_start_0:
0x0: {  	s1 =	sld [smem:$0x3FD9]  }
0x1: {  	s2 =	sld [smem:$0x3FFE];
	_ =	sdelay $0x1  }
0x2: {  	s3 =	srdreg.scid  }
0x3: {  	s0 =	sand.u32 $0x1, s3  }
0x4: {  	s17 =	sshll.u32 s0, $0xA;
	s1 =	sadd.s32 s2, s1  }
0x5: {  	s1 =	sadd.s32 s1, s17  }
0x6: {  	[smem:$0x3FBD] =	sst s1  }
0x7: {  	_ = 	snop  }
0x8: {  	(tm) =	ssettm $0x1  }
0x9: {  	s18 =	sld [smem:$0x3FFB];
	_ =	sdelay $0x3  }
0xa: {  	_ =	strace s18  }
0xb: {  	s1 =	sld [smem:$0x3FFC];
	_ =	sdelay $0x3  }
0xc: {  	_ =	strace s1  }
0xd: {  	s1 =	sld [smem:$0x3FFD];
	_ =	sdelay $0x3  }
0xe: {  	_ =	strace s1  }
0xf: {  	_ =	strace $0x8FFFFFFF  }
0x10: {  	s19 =	sld [smem:$0x3FDB];
	_ =	sdelay $0x1  }
0x11: {  	s20 =	simm.s32 $_scs_section_size  }
0x12: {  	s4 =	simm.s32 $_size__tile_overlayer_lowered;
	s5 =	simm.s32 $_tile_overlayer_lowered  }
0x13: {  	s23 =	simm.s32 $0x1BFF;
	s22 =	sshll.u32 s5, $0x1;
	s1 =	sadd.s32 s20, s19  }
0x14: {  	s6 =	simm.s32 $0x0;
	s21 =	sshll.u32 s4, $0x1;
	s4 =	sadd.s32 s22, s1  }
0x15: {  	[timem:s6], [sflag:s23] =	dma.local [hbm:s4], s21  }
0x16: {  	_ =	swait.ge [sflag:s23], s21  }
0x17: {  	s2 =	ssub.s32 $0x0, s21;
	[sflag:s23] =	ssyncset.done $0x0  }
0x18: {  	[sflag:s23] =	ssyncadd.s32 s2;
	_ =	sdelay $0x1  }
0x19: {  	s24 =	simm.s32 $0x1B8B  }
0x1a: {  	_ =	swait.ge [sflag:s24], $0x1  }
0x1b: {  	[sflag:s24] =	ssyncset.done $0x0  }
0x1c: {  	s26 =	simm.s32 $0x1B8E;
	s25 =	sld [smem:$0x3FFE];
	[sflag:s24] =	ssyncadd.s32 $0xFFFFFFFF  }
0x1d: {  	s27 =	simm.s32 $execute0_lowered;
	[smem:$0x3FD2] =	sst s26  }
0x1e: {  	s4 =	sshll.u32 s27, $0x1;
	_ =	strace $0x80000046;
	[dreg:$0x1] =	wrdreg $0xFFFFFFFF  }
0x1f: {  	s28 =	simm.s32 $_size_execute0_lowered;
	s1 =	sadd.s32 s1, s4;
	[dreg:$0x0] =	wrdreg $0x0  }
0x20: {  	s4 =	sshll.u32 s28, $0x1;
	[dreg:$0x2] =	wrdreg s1  }
0x21: {  	[dreg:$0x3] =	wrdreg s4  }
0x22: {  	[dreg:$0x4] =	wrdreg $0xC0  }
0x23: {  	_ =	task [dreg:s6], $0x5FFFF  }
0x24: {  	[dreg:$0x1] =	wrdreg $0xFFFFFFFF  }
0x25: {  	[dreg:$0x0] =	wrdreg $0x60  }
0x26: {  	[dreg:$0x2] =	wrdreg s25  }
0x27: {  	[dreg:$0x3] =	wrdreg $0x9  }
0x28: {  	_ =	task.clear_ibuf [dreg:s6], $0x4FFFF;
	_ =	strace $0x90000046  }
0x29: {  	s29 =	simm.s32 $0x9;
	_ =	strace $0x80000048  }
0x2a: {  	_ =	swait.ge [sflag:s29], $0x1  }
0x2b: {  	[sflag:s29] =	ssyncadd.s32 $0xFFFFFFFF  }
0x2c: {  	_ =	strace $0x90000048  }
0x2d: {  	_ =	sfence  }
0x2e: {  	s30 =	sld [smem:$0x0];
	_ =	sdelay $0x2  }
0x2f: {  	s31 =	sshll.u32 s3, $0xD;
	s3 =	sshrl.u32 s3, $0x2  }
0x30: {  	s2 =	sand.u32 $0x4000, s31;
	s1 =	sadd.s32 s3, s30  }
0x31: {  	s0 =	sor.u32 s2, s0;
	s1 =	sshll.u32 s1, $0x11  }
0x32: {  	s0 =	sor.u32 s1, s0  }
0x33: {  	s0 =	sadd.s32 $0x8F2B, s0  }
0x34: {  	[sflag:s0] =	ssyncadd.remote.s32 $0x1  }
0x35: {  	_ =	sfence.sel $0xFFFF  }
0x36: {  	[dreg:$0x0] =	wrdreg $0xFFFFFFFF;
	(pc) =	sbr.abs _section_cstart, $3  }
0x37: {  	[dreg:$0x1] =	wrdreg $0xFFFFFFFF  }
0x38: {  	_ =	task.clear_ibuf [dreg:s6], $0x2FFFF;
	_ =	strace $0x9FFFFFFF  }
0x39: {  	(tm) =	ssettm $0x7FFFFFFF  }
tec
execute0_lowered:
.L_overlay_start_1:
0x0: {  	(tag) =	ssettag $0x1  }
0x1: {  	s1 =	rddreg [dreg:$0x0]  }
0x2: {  	s0 =	rddreg [dreg:$0x1]  }
0x3: {  	s3 =	srdreg.scid;
	_ =	strace $0x80000047;
	s5 =	simm.s32 $0x1  }
0x4: {  	s6 =	simm.s32 $0x19;
	s7 =	simm.s32 $0x2;
	s13 =	simm.s32 $0x0  }
0x5: {  	s8 =	simm.s32 $0x800;
	s9 =	simm.s32 $0x18800;
	s14 =	simm.s32 $0x0  }
.Ltmp0:
0x6: {  	s11 =	stileid.u32;
	s4 =	sshll.u32 s3, $0x4;
	(pc) =	sbr.rel .LBB1_1-.Ltmp0, $4  }
0x7: {  	s12 =	simm.s32 $0x0;
	s2 =	sadd.s32 $0xA00, s1;
	s4 =	sand.u32 $0x10, s4  }
0x8: {  	s3 =	sadd.s32 $0x188A00, s1;
	[sflag:s5] =	ssyncpa.u1 $0x0;
	p0 =	seq.s32 s4, $0x0  }
0x9: {  	s1 =	stileid.u32;
	[sflag:s7] =	ssyncpa.u1 $0x0;
	s6 =	simm.s32 @!p0 $0x18  }
0xa: {  	s10 =	smov.u32 s4;
	p0 =	por $0x0, $0x0;
	s7 =	sadd.s32 $0x1, s6  }
.LBB1_7:
0xb: {  	s15 =	sadd.s32 $0x20, s10  }
0xc: {  	s13 =	sadd.s32 $0x10, s11;
	s17 =	smov.u32 s11;
	p2 =	sgt.s32 s15, $0x30F  }
0xd: {  	s17 =	smov.u32 @p2 s13  }
0xe: {  	s15 =	smov.u32 @p2 s4;
	p2 =	sgt.s32 s17, $0xF  }
0xf: {  	s17 =	smov.u32 @p2 s1;
	p2 =	sne.s32 s12, s7  }
.Ltmp1:
0x10: {  	p1 =	slt.u32 s12, $0x2;
	(pc) =	sbr.rel @!p2 .LBB1_8-.Ltmp1, $4  }
0x11: {  	s16 =	simm.s32 @!p1 $0x2  }
0x12: {  	s14 =	smov.u32 s11;
	p0 =	por !p0, !p0;
	_ =	swait.ge @!p1 [sflag:s16], $0x4000  }
0x13: {  	s13 =	smov.u32 s10;
	[sflag:s16] =	ssyncset.done @!p1 $0x0;
	s10 =	smov.u32 s15  }
0x14: {  	s12 =	sadd.s32 $0x1, s12;
	[sflag:s16] =	ssyncadd.s32 @!p1 $0xFFFFC000;
	s11 =	smov.u32 s17  }
.LBB1_1:
0x15: {  	p1 =	sge.u32 s12, s6  }
0x16: {  	s15 =	smul.u32 @!p1 $0x18800, s11  }
0x17: {  	s31 =	sadd.s32 $0xFFFFFFFF, s12;
	s16 =	sxor.u32 @!p1 $0xFFFFFFFF, s12  }
0x18: {  	s17 =	sshll.u32 @!p1 s10, $0x7;
	s16 =	sshll.u32 @!p1 s16, $0xE;
	s15 =	sadd.s32 @!p1 s2, s15  }
0x19: {  	s16 =	sand.u32 @!p1 $0x4000, s16;
	s15 =	sadd.s32 @!p1 s17, s15;
	s17 =	simm.s32 @!p1 $0x0  }
0x1a: {  	[tilespmem:s16], [sflag:$0x1] =	stream.linear.gather @!p1 [hbm4b:s15+s17], $0x4000, $0x38;
	[tilespmem:$0x10000] =	vst v63  }
0x1b: {  	p1 =	sge.u32 s31, s6  }
.Ltmp2:
0x1c: {  	_ = 	snop;
	(pc) =	sbr.rel @p1 .LBB1_7-.Ltmp2, $1  }
0x1d: {  	_ =	sdelay $0x3  }
0x1e: {  	s15 =	simm.s32 $0x1;
	_ =	swait.ge [sflag:s5], $0x4000;
	s18 =	sshll.u32 s12, $0xE  }
0x1f: {  	s15 =	simm.s32 @!p0 $0x0;
	[sflag:s5] =	ssyncset.done $0x0;
	s31 =	sand.u32 $0x4000, s18  }
0x20: {  	s18 =	simm.s32 $0x0;
	s15 =	sshll.u32 s15, $0xE;
	[sflag:s5] =	ssyncadd.s32 $0xFFFFC000  }
0x21: {  	s16 =	sor.u32 $0x8040, s15;
	s17 =	sor.u32 $0x40, s15;
	s15 =	sor.u32 $0x8000, s31  }
.LBB1_3:
0x22: {  	v0 =	vmov s17;
	_ =	sdelay $0x3  }
0x23: {  	s20 =	simm.s32 $0x0  }
0x24: {  	v6 =	vld.idx.msk [tilespmem:v0+s20+$0x30 ss:$0x1], $0xffff  }
0x25: {  	v7 =	vld.idx.msk [tilespmem:v0+s20+$0xFFFFFFC0 ss:$0x1], $0xffff  }
0x26: {  	v5 =	vld.idx.msk [tilespmem:v0+s20+$0xFFFFFFD0 ss:$0x1], $0xffff  }
0x27: {  	v4 =	vld.idx.msk [tilespmem:v0+s20+$0xFFFFFFE0 ss:$0x1], $0xffff  }
0x28: {  	v3 =	vld.idx.msk [tilespmem:v0+s20+$0xFFFFFFF0 ss:$0x1], $0xffff  }
0x29: {  	v1 =	vld.idx.msk [tilespmem:v0+s20+$0x0 ss:$0x1], $0xffff  }
0x2a: {  	v2 =	vld.idx.msk [tilespmem:v0+s20+$0x10 ss:$0x1], $0xffff;
	[tilespmem:s16+$0x30] =	vst v6  }
0x2b: {  	s19 =	simm.s32 $0x80;
	s21 =	simm.s32 $0x400;
	[tilespmem:s16+$0xFFFFFFC0] =	vst v7;
	v6 =	vld.idx.msk [tilespmem:v0+s20+$0x20 ss:$0x1], $0xffff;
	s20 =	smov.u32 s16  }
.LBB1_4:
0x2c: {  	p1 =	sne.s32 s21, $0xE00;
	v7 =	vld.idx.msk [tilespmem:v0+s19+$0x30 ss:$0x1], $0xffff;
	[tilespmem:s20+$0xFFFFFFD0] =	vst v5  }
0x2d: {  	v8 =	vld.idx.msk [tilespmem:v0+s19+$0xFFFFFFC0 ss:$0x1], $0xffff;
	[tilespmem:s20+$0xFFFFFFE0] =	vst v4  }
0x2e: {  	v5 =	vld.idx.msk [tilespmem:v0+s19+$0xFFFFFFD0 ss:$0x1], $0xffff;
	[tilespmem:s20+$0xFFFFFFF0] =	vst v3  }
.Ltmp3:
0x2f: {  	v4 =	vld.idx.msk [tilespmem:v0+s19+$0xFFFFFFE0 ss:$0x1], $0xffff;
	[tilespmem:s20+$0x0] =	vst v1;
	(pc) =	sbr.rel @p1 .LBB1_4-.Ltmp3, $4  }
0x30: {  	v3 =	vld.idx.msk [tilespmem:v0+s19+$0xFFFFFFF0 ss:$0x1], $0xffff;
	[tilespmem:s20+$0x10] =	vst v2  }
0x31: {  	v1 =	vld.idx.msk [tilespmem:v0+s19+$0x0 ss:$0x1], $0xffff;
	[tilespmem:s20+$0x20] =	vst v6;
	s20 =	sadd.s32 $0x800, s20  }
0x32: {  	v2 =	vld.idx.msk [tilespmem:v0+s19+$0x10 ss:$0x1], $0xffff;
	[tilespmem:s20+$0x30] =	vst v7  }
0x33: {  	[tilespmem:s20+$0xFFFFFFC0] =	vst v8;
	v6 =	vld.idx.msk [tilespmem:v0+s19+$0x20 ss:$0x1], $0xffff;
	s19 =	sshra.s32 s21, $0x2;
	s21 =	sadd.s32 $0x200, s21  }
0x34: {  	_ =	sdelay $0x2  }
0x35: {  	[tilespmem:s20+$0xFFFFFFD0] =	vst v5  }
0x36: {  	v56 =	vld.idx.msk [tilespmem:v0+s19+$0x30 ss:$0x1], $0xffff;
	[tilespmem:s20+$0xFFFFFFE0] =	vst v4  }
0x37: {  	v57 =	vld.idx.msk [tilespmem:v0+s19+$0xFFFFFFC0 ss:$0x1], $0xffff;
	[tilespmem:s20+$0xFFFFFFF0] =	vst v3  }
0x38: {  	v58 =	vld.idx.msk [tilespmem:v0+s19+$0xFFFFFFD0 ss:$0x1], $0xffff;
	[tilespmem:s20+$0x0] =	vst v1  }
0x39: {  	v59 =	vld.idx.msk [tilespmem:v0+s19+$0xFFFFFFE0 ss:$0x1], $0xffff;
	[tilespmem:s20+$0x10] =	vst v2  }
0x3a: {  	v60 =	vld.idx.msk [tilespmem:v0+s19+$0xFFFFFFF0 ss:$0x1], $0xffff;
	s31 =	sadd.s32 $0x800, s20;
	[tilespmem:s20+$0x20] =	vst v6  }
0x3b: {  	v61 =	vld.idx.msk [tilespmem:v0+s19+$0x0 ss:$0x1], $0xffff;
	[tilespmem:s31+$0x30] =	vst v56  }
0x3c: {  	v62 =	vld.idx.msk [tilespmem:v0+s19+$0x10 ss:$0x1], $0xffff;
	s18 =	sadd.s32 $0x1, s18;
	[tilespmem:s31+$0xFFFFFFC0] =	vst v57  }
0x3d: {  	v63 =	vld.idx.msk [tilespmem:v0+s19+$0x20 ss:$0x1], $0xffff;
	p1 =	sne.s32 s18, $0x10;
	[tilespmem:s31+$0xFFFFFFD0] =	vst v58  }
.Ltmp4:
0x3e: {  	[tilespmem:s31+$0xFFFFFFE0] =	vst v59;
	(pc) =	sbr.rel @p1 .LBB1_3-.Ltmp4, $4  }
0x3f: {  	[tilespmem:s31+$0xFFFFFFF0] =	vst v60  }
0x40: {  	[tilespmem:s31+$0x0] =	vst v61  }
0x41: {  	[tilespmem:s31+$0x10] =	vst v62  }
0x42: {  	s16 =	sadd.s32 $0x80, s16;
	s17 =	sadd.s32 $0x400, s17;
	[tilespmem:s31+$0x20] =	vst v63  }
0x43: {  	s13 =	sand.u32 $0x1FFFFFF, s13  }
0x44: {  	s16 =	smulhi.u32 $0x14E5E0B, s13;
	_ =	sdelay $0x1  }
0x45: {  	s14 =	smul.u32 $0x18800, s14;
	s16 =	sshrl.u32 s16, $0x2  }
0x46: {  	s16 =	smul.u32 $0x310, s16  }
.Ltmp5:
0x47: {  	_ = 	snop;
	(pc) =	sbr.rel .LBB1_7-.Ltmp5, $4  }
0x48: {  	s13 =	ssub.s32 s13, s16  }
0x49: {  	s14 =	sadd.s32 s3, s14;
	s13 =	sshll.u32 s13, $0x4  }
0x4a: {  	s13 =	sadd.s32 s13, s14  }
0x4b: {  	[hbm4b:s13+s8] =	stream.strided.scatter [tilespmem:s15], [sflag:$0x2], $0x4000, s9, s8, $0x38;
	[tilespmem:$0x10000] =	vst v63  }
.LBB1_8:
0x4c: {  	_ =	sfence.sel $0x180000  }
0x4d: {  	s2 =	simm.s32 $0x1;
	[bflag:$0x0] =	sbarrier.arrive $0xFFFF  }
0x4e: {  	s31 =	simm.s32 $0x2;
	[sflag:s2] =	ssyncpa.u1 $0x1  }
0x4f: {  	[sflag:s31] =	ssyncpa.u1 $0x1  }
0x50: {  	p0 =	sne.s32 s1, $0x0;
	_ =	strace $0x90000047  }
0x51: {  	s0 =	sadd.s32 @!p0 $0x100000, s0;
	[bflag:$0x2] =	sbarrier.arrive $0xFFFF  }
0x52: {  	[sflag:s0] =	ssyncadd.tile.s32 @!p0 $0x1;
	_ =	shalt  }
.Lfunc_end1:
_tile_overlayer_lowered:
.L_overlay_start_2:
0x53: {  	(tag) =	ssettag $0x2  }
0x54: {  	s0 =	rddreg [dreg:$0x0];
	s2 =	stileid.u32  }
0x55: {  	s1 =	rddreg [dreg:$0x1];
	p0 =	sne.s32 s2, $0x0  }
0x56: {  	s3 =	rddreg [dreg:$0x2];
	[bflag:$0x3] =	sbarrier.arrive $0xFFFF;
	s2 =	simm.s32 @!p0 $0x1C01  }
0x57: {  	[timem:s3], [sflag:s2] =	dma.local @!p0 [hbm:s0], s1  }
0x58: {  	s0 =	simm.s32 @!p0 $0x1  }
0x59: {  	_ =	swait.ge @!p0 [sflag:s0], s1  }
0x5a: {  	s1 =	ssub.s32 @!p0 $0x0, s1;
	[sflag:s0] =	ssyncset.done @!p0 $0x0  }
0x5b: {  	[sflag:s0] =	ssyncadd.s32 @!p0 s1  }
0x5c: {  	[bflag:$0x3] =	sbarrier.arrive $0xFFFF  }
0x5d: {  	_ =	shalt  }

</sc_bundles>
